<compile_context>
chip_gen: v7x
topology: tpu7x:2x2x1
jax: 0.10.2.dev20260603
libtpu: 0.0.44.dev20260713+nightly
codegen_flags: <defaults>
</compile_context>

<pallas_src>
import functools

import jax
import jax.numpy as jnp
from jax import lax
from jax.experimental import pallas as pl
import jax.experimental.pallas.tpu as pltpu
from jax.experimental.pallas import tpu_sc as plsc

_TOP_K = 2
_ALPHA = 0.1
_E = 16
_ROW = 128


def _logits_body(hs_ref, w_ref, out_ref):
    out_ref[:, :_E] = jnp.dot(hs_ref[...], w_ref[...],
                              preferred_element_type=jnp.float32)


def _tc_logits(hs, weight):
    n_tok, h = hs.shape
    n_exp = weight.shape[0]
    block_t = 1024
    return pl.pallas_call(
        _logits_body,
        grid=(n_tok // block_t,),
        in_specs=[
            pl.BlockSpec((block_t, h), lambda i: (i, 0)),
            pl.BlockSpec((h, n_exp), lambda i: (0, 0)),
        ],
        out_specs=pl.BlockSpec((block_t, _ROW), lambda i: (i, 0)),
        out_shape=jax.ShapeDtypeStruct((n_tok, _ROW), jnp.float32),
    )(hs, weight.T)


def _sc_route(logits_p):
    n_tok = logits_p.shape[0]
    info = plsc.get_sparse_core_info()
    nw = info.num_cores * info.num_subcores
    t_per_w = n_tok // nw
    chunk = 128
    n_chunks = t_per_w // chunk

    mesh = plsc.VectorSubcoreMesh(core_axis_name="c", subcore_axis_name="s")

    @functools.partial(
        pl.kernel, mesh=mesh,
        compiler_params=pltpu.CompilerParams(needs_layout_passes=False),
        out_type=[
            jax.ShapeDtypeStruct((n_tok, _ROW), jnp.int32),
            jax.ShapeDtypeStruct((n_tok, _ROW), jnp.float32),
            jax.ShapeDtypeStruct((nw, _ROW), jnp.float32),
        ],
        scratch_types=[
            pltpu.VMEM((chunk, _ROW), jnp.float32),
            pltpu.VMEM((chunk, _ROW), jnp.int32),
            pltpu.VMEM((chunk, _ROW), jnp.float32),
            pltpu.VMEM((1, _ROW), jnp.float32),
        ],
    )
    def route(lg_hbm, idx_hbm, w_hbm, agg_hbm, lg_v, idx_v, w_v, agg_v):
        wid = lax.axis_index("s") * info.num_cores + lax.axis_index("c")
        base = wid * t_per_w

        iota = lax.broadcasted_iota(jnp.int32, (_E,), 0)
        zeros_i = iota * 0
        ones_i = zeros_i + 1
        dnums = lax.GatherDimensionNumbers(
            offset_dims=(), collapsed_slice_dims=(0,), start_index_map=(0,))

        def _take(x, i):
            return lax.gather(
                x, i[:, None], dnums, (1,),
                mode=lax.GatherScatterMode.PROMISE_IN_BOUNDS)

        def body(r, carry):
            acc_cnt, acc_ssum = carry
            lg = lg_v[r, pl.ds(0, _E)]
            srt_lg, srt_i = plsc.sort_key_val(lg, iota, descending=True)
            bc0 = _take(srt_lg, zeros_i)
            bc1 = _take(srt_lg, ones_i)
            e_v = jnp.exp(lg - bc0)
            z = e_v
            for k in (1, 2, 4, 8):
                z = z + _take(z, (iota + k) & (_E - 1))
            e2 = jnp.exp(bc1 - bc0)
            w_full = e_v / (1.0 + e2)
            srt_lg2, srt_w = plsc.sort_key_val(lg, w_full, descending=True)
            idx_v[r, pl.ds(0, _E)] = srt_i
            w_v[r, pl.ds(0, _E)] = srt_w
            oh1 = (lg == bc0).astype(jnp.float32)
            oh2 = (lg == bc1).astype(jnp.float32)
            return acc_cnt + oh1 + oh2, acc_ssum + e_v / z

        zero = jnp.zeros((_E,), jnp.float32)
        acc = (zero, zero)
        for c in range(n_chunks):
            off = base + c * chunk
            pltpu.sync_copy(lg_hbm.at[pl.ds(off, chunk)], lg_v)
            acc = lax.fori_loop(0, chunk, body, acc)
            pltpu.sync_copy(idx_v, idx_hbm.at[pl.ds(off, chunk)])
            pltpu.sync_copy(w_v, w_hbm.at[pl.ds(off, chunk)])

        agg_v[0, pl.ds(0, _E)] = acc[0]
        agg_v[0, pl.ds(_E, _E)] = acc[1]
        pltpu.sync_copy(agg_v, agg_hbm.at[pl.ds(wid, 1)])

    return route(logits_p)


def kernel(hidden_states, weight):
    bsz, seq_len, h = hidden_states.shape
    hs = hidden_states.reshape(-1, h)
    n_tok = hs.shape[0]

    logits_p = _tc_logits(hs, weight)
    idx_s, w_s, agg = _sc_route(logits_p)

    topk_idx = idx_s[:, :_TOP_K]
    topk_w = w_s[:, :_TOP_K]

    nw = agg.shape[0]
    w_per_b = nw // bsz
    cnt_b = agg[:, :_E].reshape(bsz, w_per_b, _E).sum(axis=1)
    ssum_b = agg[:, _E:2 * _E].reshape(bsz, w_per_b, _E).sum(axis=1)
    ce = cnt_b / (seq_len * _TOP_K / _E)
    smean = ssum_b / seq_len
    aux_loss = jnp.mean(jnp.sum(ce * smean, axis=1)) * _ALPHA
    return topk_idx, topk_w, aux_loss

# --- scband reference (transcript-rebuilt; emitter-appended) ---
"""Pipeline reference for scband-mo-egate-77395310674356 (READ-ONLY COPY).

The authoritative reference and input builder live on the scoring server;
editing this copy changes nothing except your own understanding.
"""

import jax, jax.numpy as jnp
import numpy as np

BSZ, SEQ, H = 4, 4096, 2048
E = 16
TOP_K = 2
ALPHA = 0.1


def setup_inputs(seed: int = 0) -> dict:
    key = jax.random.key(seed)
    k1, k2 = jax.random.split(key)
    hidden_states = jax.random.normal(k1, (BSZ, SEQ, H), dtype=jnp.float32)
    # kaiming_uniform_(a=sqrt(5)) on (E, H): bound = sqrt(6 / ((1 + 5) * H)) = 1/sqrt(H)
    bound = 1.0 / np.sqrt(H)
    weight = jax.random.uniform(k2, (E, H), dtype=jnp.float32, minval=-bound, maxval=bound)
    return {"hidden_states": hidden_states, "weight": weight}


def reference(hidden_states, weight):
    bsz, seq_len, h = hidden_states.shape
    hs = hidden_states.reshape(-1, h)
    logits = hs @ weight.T
    scores = jax.nn.softmax(logits, axis=-1)
    topk_weight, topk_idx = jax.lax.top_k(scores, TOP_K)
    # norm_topk_prob
    denominator = jnp.sum(topk_weight, axis=-1, keepdims=True) + 1e-20
    topk_weight = topk_weight / denominator
    # seq-aux load-balancing loss (module defaults to training=True)
    aux_topk = TOP_K
    topk_idx_for_aux = topk_idx.reshape(bsz, -1)
    scores_for_seq_aux = scores.reshape(bsz, seq_len, E)
    row = jnp.arange(bsz)[:, None]
    ce = jnp.zeros((bsz, E), dtype=jnp.float32).at[row, topk_idx_for_aux].add(1.0)
    ce = ce / (seq_len * aux_topk / E)
    aux_loss = jnp.mean(jnp.sum(ce * jnp.mean(scores_for_seq_aux, axis=1), axis=1)) * ALPHA
    return (topk_idx, topk_weight, aux_loss)

if __name__ == "__main__":
    import jax
    _d = setup_inputs()
    print(jax.jit(kernel)(*tuple(_d.values())))

</pallas_src>

<mosaic_0001>
#map = affine_map<(d0, d1) -> (0, 0)>
module attributes {stable_mosaic.version = 14 : i64} {
  func.func @route(%arg0: i32, %arg1: i32, %arg2: memref<16384x128xf32, #tpu.memory_space<hbm>>, %arg3: memref<16384x128xi32, #tpu.memory_space<hbm>>, %arg4: memref<16384x128xf32, #tpu.memory_space<hbm>>, %arg5: memref<32x128xf32, #tpu.memory_space<hbm>>, %arg6: memref<128x128xf32, #tpu.memory_space<vmem>>, %arg7: memref<128x128xi32, #tpu.memory_space<vmem>>, %arg8: memref<128x128xf32, #tpu.memory_space<vmem>>, %arg9: memref<1x128xf32, #tpu.memory_space<vmem>>) attributes {dimension_semantics = [#tpu.dimension_semantics<core_parallel>, #tpu.dimension_semantics<subcore_parallel>], iteration_bounds = array<i64: 2, 16>, scalar_prefetch = 0 : i64, scratch_operands = 4 : i64, tpu.core_type = #tpu.core_type<sc_vector_subcore>, window_params = [{transform_indices = #map}, {transform_indices = #map}, {transform_indices = #map}, {transform_indices = #map}]} {
    %mul3A = arith.constant 2 : i32
    %mul3A_0 = arith.muli %arg1, %mul3A : i32
    %add3A = arith.addi %mul3A_0, %arg0 : i32
    %mul3A_1 = arith.constant 512 : i32
    %mul3A_2 = arith.muli %add3A, %mul3A_1 : i32
    %iota3A = tpu.iota {dimensions = array<i32: 0>} : vector<16xi32>
    %mul3A_3 = arith.constant 0 : i32
    %mul3A_4 = vector.broadcast %mul3A_3 : i32 to vector<16xi32>
    %mul3A_5 = arith.muli %iota3A, %mul3A_4 : vector<16xi32>
    %add3A_6 = arith.constant 1 : i32
    %add3A_7 = vector.broadcast %add3A_6 : i32 to vector<16xi32>
    %add3A_8 = arith.addi %mul3A_5, %add3A_7 : vector<16xi32>
    %broadcast_in_dim3A = arith.constant 0.000000e+00 : f32
    %broadcast_in_dim3A_9 = vector.broadcast %broadcast_in_dim3A : f32 to vector<16xf32>
    %add3A_10 = arith.constant 0 : i32
    %add3A_11 = arith.addi %mul3A_2, %add3A_10 : i32
    "tpu.region"() ({
      %run_scoped3A = tpu.sem_alloc : memref<!tpu.dma_semaphore, #tpu.memory_space<semaphore_mem>>
      %dma_start3A = arith.constant 0 : i32
      %dma_start3A_48 = tpu.memref_slice %arg2[%add3A_11, %dma_start3A] : memref<16384x128xf32, #tpu.memory_space<hbm>> -> memref<128x128xf32, #tpu.memory_space<hbm>>
      %dma_start3A_49 = arith.constant 0 : i32
      %dma_start3A_50 = tpu.memref_slice %arg2[%add3A_11, %dma_start3A_49] : memref<16384x128xf32, #tpu.memory_space<hbm>> -> memref<128x128xf32, #tpu.memory_space<hbm>>
      tpu.enqueue_dma source(%dma_start3A_50 : memref<128x128xf32, #tpu.memory_space<hbm>>) target(%arg6 : memref<128x128xf32, #tpu.memory_space<vmem>>) target_semaphore(%run_scoped3A : memref<!tpu.dma_semaphore, #tpu.memory_space<semaphore_mem>>)
      %dma_wait3A = arith.constant 0 : i32
      %dma_wait3A_51 = tpu.memref_slice %arg2[%add3A_11, %dma_wait3A] : memref<16384x128xf32, #tpu.memory_space<hbm>> -> memref<128x128xf32, #tpu.memory_space<hbm>>
      %dma_wait3A_52 = arith.constant 0 : i32
      %dma_wait3A_53 = tpu.memref_slice %arg2[%add3A_11, %dma_wait3A_52] : memref<16384x128xf32, #tpu.memory_space<hbm>> -> memref<128x128xf32, #tpu.memory_space<hbm>>
      tpu.wait_dma2 semaphore(%run_scoped3A : memref<!tpu.dma_semaphore, #tpu.memory_space<semaphore_mem>>) src(%dma_wait3A_53 : memref<128x128xf32, #tpu.memory_space<hbm>>) dst(%arg6 : memref<128x128xf32, #tpu.memory_space<vmem>>)
      tpu.yield
    }) : () -> ()
    %scan3A = arith.constant 0 : i32
    %scan3A_12 = arith.constant 128 : i32
    %scan3A_13 = arith.addi %scan3A, %scan3A_12 : i32
    %scan3A_14 = arith.constant 1 : i32
    %scan3A_15:2 = scf.for %scan3A_48 = %scan3A to %scan3A_13 step %scan3A_14 iter_args(%scan3A_49 = %broadcast_in_dim3A_9, %scan3A_50 = %broadcast_in_dim3A_9) -> (vector<16xf32>, vector<16xf32>)  : i32 {
      %get3A = arith.index_cast %scan3A_48 : i32 to index
      %get3A_51 = arith.constant 0 : index
      %get3A_52 = tpu.vector_load %arg6[%get3A, %get3A_51] {strides = array<i32>} : memref<128x128xf32, #tpu.memory_space<vmem>>, vector<16xf32>,
      %masked_sort3A = arith.constant dense<true> : vector<16xi1>
      %masked_sort3A_53, %masked_sort3A_54, %masked_sort3A_55 = tpu.sort %get3A_52, %iota3A masked %masked_sort3A {descending = true} : (vector<16xf32>, vector<16xi32>, vector<16xi1>) -> (vector<16xi1>, vector<16xf32>, vector<16xi32>)
      %broadcast_in_dim3A_56 = vector.shape_cast %mul3A_5 : vector<16xi32> to vector<16x1xi32>
      %gather3A = vector.shape_cast %broadcast_in_dim3A_56 : vector<16x1xi32> to vector<16xi32>
      %gather3A_57 = tpu.dynamic_gather %masked_sort3A_54[%gather3A] in [0] : vector<16xf32>, vector<16xi32> -> vector<16xf32>
      %broadcast_in_dim3A_58 = vector.shape_cast %add3A_8 : vector<16xi32> to vector<16x1xi32>
      %gather3A_59 = vector.shape_cast %broadcast_in_dim3A_58 : vector<16x1xi32> to vector<16xi32>
      %gather3A_60 = tpu.dynamic_gather %masked_sort3A_54[%gather3A_59] in [0] : vector<16xf32>, vector<16xi32> -> vector<16xf32>
      %sub3A = arith.subf %get3A_52, %gather3A_57 : vector<16xf32>
      %exp3A = math.exp %sub3A : vector<16xf32>
      %add3A_61 = arith.constant 1 : i32
      %add3A_62 = vector.broadcast %add3A_61 : i32 to vector<16xi32>
      %add3A_63 = arith.addi %iota3A, %add3A_62 : vector<16xi32>
      %and3A = arith.constant 15 : i32
      %and3A_64 = vector.broadcast %and3A : i32 to vector<16xi32>
      %and3A_65 = arith.andi %add3A_63, %and3A_64 : vector<16xi32>
      %broadcast_in_dim3A_66 = vector.shape_cast %and3A_65 : vector<16xi32> to vector<16x1xi32>
      %gather3A_67 = vector.shape_cast %broadcast_in_dim3A_66 : vector<16x1xi32> to vector<16xi32>
      %gather3A_68 = tpu.dynamic_gather %exp3A[%gather3A_67] in [0] : vector<16xf32>, vector<16xi32> -> vector<16xf32>
      %add3A_69 = arith.addf %exp3A, %gather3A_68 : vector<16xf32>
      %add3A_70 = arith.constant 2 : i32
      %add3A_71 = vector.broadcast %add3A_70 : i32 to vector<16xi32>
      %add3A_72 = arith.addi %iota3A, %add3A_71 : vector<16xi32>
      %and3A_73 = arith.constant 15 : i32
      %and3A_74 = vector.broadcast %and3A_73 : i32 to vector<16xi32>
      %and3A_75 = arith.andi %add3A_72, %and3A_74 : vector<16xi32>
      %broadcast_in_dim3A_76 = vector.shape_cast %and3A_75 : vector<16xi32> to vector<16x1xi32>
      %gather3A_77 = vector.shape_cast %broadcast_in_dim3A_76 : vector<16x1xi32> to vector<16xi32>
      %gather3A_78 = tpu.dynamic_gather %add3A_69[%gather3A_77] in [0] : vector<16xf32>, vector<16xi32> -> vector<16xf32>
      %add3A_79 = arith.addf %add3A_69, %gather3A_78 : vector<16xf32>
      %add3A_80 = arith.constant 4 : i32
      %add3A_81 = vector.broadcast %add3A_80 : i32 to vector<16xi32>
      %add3A_82 = arith.addi %iota3A, %add3A_81 : vector<16xi32>
      %and3A_83 = arith.constant 15 : i32
      %and3A_84 = vector.broadcast %and3A_83 : i32 to vector<16xi32>
      %and3A_85 = arith.andi %add3A_82, %and3A_84 : vector<16xi32>
      %broadcast_in_dim3A_86 = vector.shape_cast %and3A_85 : vector<16xi32> to vector<16x1xi32>
      %gather3A_87 = vector.shape_cast %broadcast_in_dim3A_86 : vector<16x1xi32> to vector<16xi32>
      %gather3A_88 = tpu.dynamic_gather %add3A_79[%gather3A_87] in [0] : vector<16xf32>, vector<16xi32> -> vector<16xf32>
      %add3A_89 = arith.addf %add3A_79, %gather3A_88 : vector<16xf32>
      %add3A_90 = arith.constant 8 : i32
      %add3A_91 = vector.broadcast %add3A_90 : i32 to vector<16xi32>
      %add3A_92 = arith.addi %iota3A, %add3A_91 : vector<16xi32>
      %and3A_93 = arith.constant 15 : i32
      %and3A_94 = vector.broadcast %and3A_93 : i32 to vector<16xi32>
      %and3A_95 = arith.andi %add3A_92, %and3A_94 : vector<16xi32>
      %broadcast_in_dim3A_96 = vector.shape_cast %and3A_95 : vector<16xi32> to vector<16x1xi32>
      %gather3A_97 = vector.shape_cast %broadcast_in_dim3A_96 : vector<16x1xi32> to vector<16xi32>
      %gather3A_98 = tpu.dynamic_gather %add3A_89[%gather3A_97] in [0] : vector<16xf32>, vector<16xi32> -> vector<16xf32>
      %add3A_99 = arith.addf %add3A_89, %gather3A_98 : vector<16xf32>
      %sub3A_100 = arith.subf %gather3A_60, %gather3A_57 : vector<16xf32>
      %exp3A_101 = math.exp %sub3A_100 : vector<16xf32>
      %add3A_102 = arith.constant 1.000000e+00 : f32
      %add3A_103 = vector.broadcast %add3A_102 : f32 to vector<16xf32>
      %add3A_104 = arith.addf %add3A_103, %exp3A_101 : vector<16xf32>
      %div3A = arith.divf %exp3A, %add3A_104 : vector<16xf32>
      %masked_sort3A_105 = arith.constant dense<true> : vector<16xi1>
      %masked_sort3A_106, %masked_sort3A_107, %masked_sort3A_108 = tpu.sort %get3A_52, %div3A masked %masked_sort3A_105 {descending = true} : (vector<16xf32>, vector<16xf32>, vector<16xi1>) -> (vector<16xi1>, vector<16xf32>, vector<16xf32>)
      %swap3A_109 = arith.index_cast %scan3A_48 : i32 to index
      %swap3A_110 = arith.constant 0 : index
      %swap3A_111 = tpu.vector_load %arg7[%swap3A_109, %swap3A_110] {strides = array<i32>} : memref<128x128xi32, #tpu.memory_space<vmem>>, vector<16xi32>,
      tpu.vector_store %arg7[%swap3A_109, %swap3A_110], %masked_sort3A_55 {strides = array<i32>} : memref<128x128xi32, #tpu.memory_space<vmem>>, vector<16xi32>,
      %swap3A_112 = arith.index_cast %scan3A_48 : i32 to index
      %swap3A_113 = arith.constant 0 : index
      %swap3A_114 = tpu.vector_load %arg8[%swap3A_112, %swap3A_113] {strides = array<i32>} : memref<128x128xf32, #tpu.memory_space<vmem>>, vector<16xf32>,
      tpu.vector_store %arg8[%swap3A_112, %swap3A_113], %masked_sort3A_108 {strides = array<i32>} : memref<128x128xf32, #tpu.memory_space<vmem>>, vector<16xf32>,
      %eq3A = arith.cmpf oeq, %get3A_52, %gather3A_57 : vector<16xf32>
      %convert_element_type3A = arith.extui %eq3A : vector<16xi1> to vector<16xi32>
      %convert_element_type3A_115 = arith.sitofp %convert_element_type3A : vector<16xi32> to vector<16xf32>
      %eq3A_116 = arith.cmpf oeq, %get3A_52, %gather3A_60 : vector<16xf32>
      %convert_element_type3A_117 = arith.extui %eq3A_116 : vector<16xi1> to vector<16xi32>
      %convert_element_type3A_118 = arith.sitofp %convert_element_type3A_117 : vector<16xi32> to vector<16xf32>
      %add3A_119 = arith.addf %scan3A_49, %convert_element_type3A_115 : vector<16xf32>
      %add3A_120 = arith.addf %add3A_119, %convert_element_type3A_118 : vector<16xf32>
      %div3A_121 = arith.divf %exp3A, %add3A_99 : vector<16xf32>
      %add3A_122 = arith.addf %scan3A_50, %div3A_121 : vector<16xf32>
      scf.yield %add3A_120, %add3A_122 : vector<16xf32>, vector<16xf32>
    }
    %scan3A_16 = arith.constant 128 : i32
    "tpu.region"() ({
      %run_scoped3A = tpu.sem_alloc : memref<!tpu.dma_semaphore, #tpu.memory_space<semaphore_mem>>
      %dma_start3A = arith.constant 0 : i32
      %dma_start3A_48 = tpu.memref_slice %arg3[%add3A_11, %dma_start3A] : memref<16384x128xi32, #tpu.memory_space<hbm>> -> memref<128x128xi32, #tpu.memory_space<hbm>>
      %dma_start3A_49 = arith.constant 0 : i32
      %dma_start3A_50 = tpu.memref_slice %arg3[%add3A_11, %dma_start3A_49] : memref<16384x128xi32, #tpu.memory_space<hbm>> -> memref<128x128xi32, #tpu.memory_space<hbm>>
      tpu.enqueue_dma source(%arg7 : memref<128x128xi32, #tpu.memory_space<vmem>>) target(%dma_start3A_50 : memref<128x128xi32, #tpu.memory_space<hbm>>) target_semaphore(%run_scoped3A : memref<!tpu.dma_semaphore, #tpu.memory_space<semaphore_mem>>)
      %dma_wait3A = arith.constant 0 : i32
      %dma_wait3A_51 = tpu.memref_slice %arg3[%add3A_11, %dma_wait3A] : memref<16384x128xi32, #tpu.memory_space<hbm>> -> memref<128x128xi32, #tpu.memory_space<hbm>>
      %dma_wait3A_52 = arith.constant 0 : i32
      %dma_wait3A_53 = tpu.memref_slice %arg3[%add3A_11, %dma_wait3A_52] : memref<16384x128xi32, #tpu.memory_space<hbm>> -> memref<128x128xi32, #tpu.memory_space<hbm>>
      tpu.wait_dma2 semaphore(%run_scoped3A : memref<!tpu.dma_semaphore, #tpu.memory_space<semaphore_mem>>) src(%arg7 : memref<128x128xi32, #tpu.memory_space<vmem>>) dst(%dma_wait3A_53 : memref<128x128xi32, #tpu.memory_space<hbm>>)
      tpu.yield
    }) : () -> ()
    "tpu.region"() ({
      %run_scoped3A = tpu.sem_alloc : memref<!tpu.dma_semaphore, #tpu.memory_space<semaphore_mem>>
      %dma_start3A = arith.constant 0 : i32
      %dma_start3A_48 = tpu.memref_slice %arg4[%add3A_11, %dma_start3A] : memref<16384x128xf32, #tpu.memory_space<hbm>> -> memref<128x128xf32, #tpu.memory_space<hbm>>
      %dma_start3A_49 = arith.constant 0 : i32
      %dma_start3A_50 = tpu.memref_slice %arg4[%add3A_11, %dma_start3A_49] : memref<16384x128xf32, #tpu.memory_space<hbm>> -> memref<128x128xf32, #tpu.memory_space<hbm>>
      tpu.enqueue_dma source(%arg8 : memref<128x128xf32, #tpu.memory_space<vmem>>) target(%dma_start3A_50 : memref<128x128xf32, #tpu.memory_space<hbm>>) target_semaphore(%run_scoped3A : memref<!tpu.dma_semaphore, #tpu.memory_space<semaphore_mem>>)
      %dma_wait3A = arith.constant 0 : i32
      %dma_wait3A_51 = tpu.memref_slice %arg4[%add3A_11, %dma_wait3A] : memref<16384x128xf32, #tpu.memory_space<hbm>> -> memref<128x128xf32, #tpu.memory_space<hbm>>
      %dma_wait3A_52 = arith.constant 0 : i32
      %dma_wait3A_53 = tpu.memref_slice %arg4[%add3A_11, %dma_wait3A_52] : memref<16384x128xf32, #tpu.memory_space<hbm>> -> memref<128x128xf32, #tpu.memory_space<hbm>>
      tpu.wait_dma2 semaphore(%run_scoped3A : memref<!tpu.dma_semaphore, #tpu.memory_space<semaphore_mem>>) src(%arg8 : memref<128x128xf32, #tpu.memory_space<vmem>>) dst(%dma_wait3A_53 : memref<128x128xf32, #tpu.memory_space<hbm>>)
      tpu.yield
    }) : () -> ()
    %add3A_17 = arith.constant 128 : i32
    %add3A_18 = arith.addi %mul3A_2, %add3A_17 : i32
    "tpu.region"() ({
      %run_scoped3A = tpu.sem_alloc : memref<!tpu.dma_semaphore, #tpu.memory_space<semaphore_mem>>
      %dma_start3A = arith.constant 0 : i32
      %dma_start3A_48 = tpu.memref_slice %arg2[%add3A_18, %dma_start3A] : memref<16384x128xf32, #tpu.memory_space<hbm>> -> memref<128x128xf32, #tpu.memory_space<hbm>>
      %dma_start3A_49 = arith.constant 0 : i32
      %dma_start3A_50 = tpu.memref_slice %arg2[%add3A_18, %dma_start3A_49] : memref<16384x128xf32, #tpu.memory_space<hbm>> -> memref<128x128xf32, #tpu.memory_space<hbm>>
      tpu.enqueue_dma source(%dma_start3A_50 : memref<128x128xf32, #tpu.memory_space<hbm>>) target(%arg6 : memref<128x128xf32, #tpu.memory_space<vmem>>) target_semaphore(%run_scoped3A : memref<!tpu.dma_semaphore, #tpu.memory_space<semaphore_mem>>)
      %dma_wait3A = arith.constant 0 : i32
      %dma_wait3A_51 = tpu.memref_slice %arg2[%add3A_18, %dma_wait3A] : memref<16384x128xf32, #tpu.memory_space<hbm>> -> memref<128x128xf32, #tpu.memory_space<hbm>>
      %dma_wait3A_52 = arith.constant 0 : i32
      %dma_wait3A_53 = tpu.memref_slice %arg2[%add3A_18, %dma_wait3A_52] : memref<16384x128xf32, #tpu.memory_space<hbm>> -> memref<128x128xf32, #tpu.memory_space<hbm>>
      tpu.wait_dma2 semaphore(%run_scoped3A : memref<!tpu.dma_semaphore, #tpu.memory_space<semaphore_mem>>) src(%dma_wait3A_53 : memref<128x128xf32, #tpu.memory_space<hbm>>) dst(%arg6 : memref<128x128xf32, #tpu.memory_space<vmem>>)
      tpu.yield
    }) : () -> ()
    %scan3A_19 = arith.constant 0 : i32
    %scan3A_20 = arith.constant 128 : i32
    %scan3A_21 = arith.addi %scan3A_19, %scan3A_20 : i32
    %scan3A_22 = arith.constant 1 : i32
    %scan3A_23:2 = scf.for %scan3A_48 = %scan3A_19 to %scan3A_21 step %scan3A_22 iter_args(%scan3A_49 = %scan3A_15#0, %scan3A_50 = %scan3A_15#1) -> (vector<16xf32>, vector<16xf32>)  : i32 {
      %get3A = arith.index_cast %scan3A_48 : i32 to index
      %get3A_51 = arith.constant 0 : index
      %get3A_52 = tpu.vector_load %arg6[%get3A, %get3A_51] {strides = array<i32>} : memref<128x128xf32, #tpu.memory_space<vmem>>, vector<16xf32>,
      %masked_sort3A = arith.constant dense<true> : vector<16xi1>
      %masked_sort3A_53, %masked_sort3A_54, %masked_sort3A_55 = tpu.sort %get3A_52, %iota3A masked %masked_sort3A {descending = true} : (vector<16xf32>, vector<16xi32>, vector<16xi1>) -> (vector<16xi1>, vector<16xf32>, vector<16xi32>)
      %broadcast_in_dim3A_56 = vector.shape_cast %mul3A_5 : vector<16xi32> to vector<16x1xi32>
      %gather3A = vector.shape_cast %broadcast_in_dim3A_56 : vector<16x1xi32> to vector<16xi32>
      %gather3A_57 = tpu.dynamic_gather %masked_sort3A_54[%gather3A] in [0] : vector<16xf32>, vector<16xi32> -> vector<16xf32>
      %broadcast_in_dim3A_58 = vector.shape_cast %add3A_8 : vector<16xi32> to vector<16x1xi32>
      %gather3A_59 = vector.shape_cast %broadcast_in_dim3A_58 : vector<16x1xi32> to vector<16xi32>
      %gather3A_60 = tpu.dynamic_gather %masked_sort3A_54[%gather3A_59] in [0] : vector<16xf32>, vector<16xi32> -> vector<16xf32>
      %sub3A = arith.subf %get3A_52, %gather3A_57 : vector<16xf32>
      %exp3A = math.exp %sub3A : vector<16xf32>
      %add3A_61 = arith.constant 1 : i32
      %add3A_62 = vector.broadcast %add3A_61 : i32 to vector<16xi32>
      %add3A_63 = arith.addi %iota3A, %add3A_62 : vector<16xi32>
      %and3A = arith.constant 15 : i32
      %and3A_64 = vector.broadcast %and3A : i32 to vector<16xi32>
      %and3A_65 = arith.andi %add3A_63, %and3A_64 : vector<16xi32>
      %broadcast_in_dim3A_66 = vector.shape_cast %and3A_65 : vector<16xi32> to vector<16x1xi32>
      %gather3A_67 = vector.shape_cast %broadcast_in_dim3A_66 : vector<16x1xi32> to vector<16xi32>
      %gather3A_68 = tpu.dynamic_gather %exp3A[%gather3A_67] in [0] : vector<16xf32>, vector<16xi32> -> vector<16xf32>
      %add3A_69 = arith.addf %exp3A, %gather3A_68 : vector<16xf32>
      %add3A_70 = arith.constant 2 : i32
      %add3A_71 = vector.broadcast %add3A_70 : i32 to vector<16xi32>
      %add3A_72 = arith.addi %iota3A, %add3A_71 : vector<16xi32>
      %and3A_73 = arith.constant 15 : i32
      %and3A_74 = vector.broadcast %and3A_73 : i32 to vector<16xi32>
      %and3A_75 = arith.andi %add3A_72, %and3A_74 : vector<16xi32>
      %broadcast_in_dim3A_76 = vector.shape_cast %and3A_75 : vector<16xi32> to vector<16x1xi32>
      %gather3A_77 = vector.shape_cast %broadcast_in_dim3A_76 : vector<16x1xi32> to vector<16xi32>
      %gather3A_78 = tpu.dynamic_gather %add3A_69[%gather3A_77] in [0] : vector<16xf32>, vector<16xi32> -> vector<16xf32>
      %add3A_79 = arith.addf %add3A_69, %gather3A_78 : vector<16xf32>
      %add3A_80 = arith.constant 4 : i32
      %add3A_81 = vector.broadcast %add3A_80 : i32 to vector<16xi32>
      %add3A_82 = arith.addi %iota3A, %add3A_81 : vector<16xi32>
      %and3A_83 = arith.constant 15 : i32
      %and3A_84 = vector.broadcast %and3A_83 : i32 to vector<16xi32>
      %and3A_85 = arith.andi %add3A_82, %and3A_84 : vector<16xi32>
      %broadcast_in_dim3A_86 = vector.shape_cast %and3A_85 : vector<16xi32> to vector<16x1xi32>
      %gather3A_87 = vector.shape_cast %broadcast_in_dim3A_86 : vector<16x1xi32> to vector<16xi32>
      %gather3A_88 = tpu.dynamic_gather %add3A_79[%gather3A_87] in [0] : vector<16xf32>, vector<16xi32> -> vector<16xf32>
      %add3A_89 = arith.addf %add3A_79, %gather3A_88 : vector<16xf32>
      %add3A_90 = arith.constant 8 : i32
      %add3A_91 = vector.broadcast %add3A_90 : i32 to vector<16xi32>
      %add3A_92 = arith.addi %iota3A, %add3A_91 : vector<16xi32>
      %and3A_93 = arith.constant 15 : i32
      %and3A_94 = vector.broadcast %and3A_93 : i32 to vector<16xi32>
      %and3A_95 = arith.andi %add3A_92, %and3A_94 : vector<16xi32>
      %broadcast_in_dim3A_96 = vector.shape_cast %and3A_95 : vector<16xi32> to vector<16x1xi32>
      %gather3A_97 = vector.shape_cast %broadcast_in_dim3A_96 : vector<16x1xi32> to vector<16xi32>
      %gather3A_98 = tpu.dynamic_gather %add3A_89[%gather3A_97] in [0] : vector<16xf32>, vector<16xi32> -> vector<16xf32>
      %add3A_99 = arith.addf %add3A_89, %gather3A_98 : vector<16xf32>
      %sub3A_100 = arith.subf %gather3A_60, %gather3A_57 : vector<16xf32>
      %exp3A_101 = math.exp %sub3A_100 : vector<16xf32>
      %add3A_102 = arith.constant 1.000000e+00 : f32
      %add3A_103 = vector.broadcast %add3A_102 : f32 to vector<16xf32>
      %add3A_104 = arith.addf %add3A_103, %exp3A_101 : vector<16xf32>
      %div3A = arith.divf %exp3A, %add3A_104 : vector<16xf32>
      %masked_sort3A_105 = arith.constant dense<true> : vector<16xi1>
      %masked_sort3A_106, %masked_sort3A_107, %masked_sort3A_108 = tpu.sort %get3A_52, %div3A masked %masked_sort3A_105 {descending = true} : (vector<16xf32>, vector<16xf32>, vector<16xi1>) -> (vector<16xi1>, vector<16xf32>, vector<16xf32>)
      %swap3A_109 = arith.index_cast %scan3A_48 : i32 to index
      %swap3A_110 = arith.constant 0 : index
      %swap3A_111 = tpu.vector_load %arg7[%swap3A_109, %swap3A_110] {strides = array<i32>} : memref<128x128xi32, #tpu.memory_space<vmem>>, vector<16xi32>,
      tpu.vector_store %arg7[%swap3A_109, %swap3A_110], %masked_sort3A_55 {strides = array<i32>} : memref<128x128xi32, #tpu.memory_space<vmem>>, vector<16xi32>,
      %swap3A_112 = arith.index_cast %scan3A_48 : i32 to index
      %swap3A_113 = arith.constant 0 : index
      %swap3A_114 = tpu.vector_load %arg8[%swap3A_112, %swap3A_113] {strides = array<i32>} : memref<128x128xf32, #tpu.memory_space<vmem>>, vector<16xf32>,
      tpu.vector_store %arg8[%swap3A_112, %swap3A_113], %masked_sort3A_108 {strides = array<i32>} : memref<128x128xf32, #tpu.memory_space<vmem>>, vector<16xf32>,
      %eq3A = arith.cmpf oeq, %get3A_52, %gather3A_57 : vector<16xf32>
      %convert_element_type3A = arith.extui %eq3A : vector<16xi1> to vector<16xi32>
      %convert_element_type3A_115 = arith.sitofp %convert_element_type3A : vector<16xi32> to vector<16xf32>
      %eq3A_116 = arith.cmpf oeq, %get3A_52, %gather3A_60 : vector<16xf32>
      %convert_element_type3A_117 = arith.extui %eq3A_116 : vector<16xi1> to vector<16xi32>
      %convert_element_type3A_118 = arith.sitofp %convert_element_type3A_117 : vector<16xi32> to vector<16xf32>
      %add3A_119 = arith.addf %scan3A_49, %convert_element_type3A_115 : vector<16xf32>
      %add3A_120 = arith.addf %add3A_119, %convert_element_type3A_118 : vector<16xf32>
      %div3A_121 = arith.divf %exp3A, %add3A_99 : vector<16xf32>
      %add3A_122 = arith.addf %scan3A_50, %div3A_121 : vector<16xf32>
      scf.yield %add3A_120, %add3A_122 : vector<16xf32>, vector<16xf32>
    }
    %scan3A_24 = arith.constant 128 : i32
    "tpu.region"() ({
      %run_scoped3A = tpu.sem_alloc : memref<!tpu.dma_semaphore, #tpu.memory_space<semaphore_mem>>
      %dma_start3A = arith.constant 0 : i32
      %dma_start3A_48 = tpu.memref_slice %arg3[%add3A_18, %dma_start3A] : memref<16384x128xi32, #tpu.memory_space<hbm>> -> memref<128x128xi32, #tpu.memory_space<hbm>>
      %dma_start3A_49 = arith.constant 0 : i32
      %dma_start3A_50 = tpu.memref_slice %arg3[%add3A_18, %dma_start3A_49] : memref<16384x128xi32, #tpu.memory_space<hbm>> -> memref<128x128xi32, #tpu.memory_space<hbm>>
      tpu.enqueue_dma source(%arg7 : memref<128x128xi32, #tpu.memory_space<vmem>>) target(%dma_start3A_50 : memref<128x128xi32, #tpu.memory_space<hbm>>) target_semaphore(%run_scoped3A : memref<!tpu.dma_semaphore, #tpu.memory_space<semaphore_mem>>)
      %dma_wait3A = arith.constant 0 : i32
      %dma_wait3A_51 = tpu.memref_slice %arg3[%add3A_18, %dma_wait3A] : memref<16384x128xi32, #tpu.memory_space<hbm>> -> memref<128x128xi32, #tpu.memory_space<hbm>>
      %dma_wait3A_52 = arith.constant 0 : i32
      %dma_wait3A_53 = tpu.memref_slice %arg3[%add3A_18, %dma_wait3A_52] : memref<16384x128xi32, #tpu.memory_space<hbm>> -> memref<128x128xi32, #tpu.memory_space<hbm>>
      tpu.wait_dma2 semaphore(%run_scoped3A : memref<!tpu.dma_semaphore, #tpu.memory_space<semaphore_mem>>) src(%arg7 : memref<128x128xi32, #tpu.memory_space<vmem>>) dst(%dma_wait3A_53 : memref<128x128xi32, #tpu.memory_space<hbm>>)
      tpu.yield
    }) : () -> ()
    "tpu.region"() ({
      %run_scoped3A = tpu.sem_alloc : memref<!tpu.dma_semaphore, #tpu.memory_space<semaphore_mem>>
      %dma_start3A = arith.constant 0 : i32
      %dma_start3A_48 = tpu.memref_slice %arg4[%add3A_18, %dma_start3A] : memref<16384x128xf32, #tpu.memory_space<hbm>> -> memref<128x128xf32, #tpu.memory_space<hbm>>
      %dma_start3A_49 = arith.constant 0 : i32
      %dma_start3A_50 = tpu.memref_slice %arg4[%add3A_18, %dma_start3A_49] : memref<16384x128xf32, #tpu.memory_space<hbm>> -> memref<128x128xf32, #tpu.memory_space<hbm>>
      tpu.enqueue_dma source(%arg8 : memref<128x128xf32, #tpu.memory_space<vmem>>) target(%dma_start3A_50 : memref<128x128xf32, #tpu.memory_space<hbm>>) target_semaphore(%run_scoped3A : memref<!tpu.dma_semaphore, #tpu.memory_space<semaphore_mem>>)
      %dma_wait3A = arith.constant 0 : i32
      %dma_wait3A_51 = tpu.memref_slice %arg4[%add3A_18, %dma_wait3A] : memref<16384x128xf32, #tpu.memory_space<hbm>> -> memref<128x128xf32, #tpu.memory_space<hbm>>
      %dma_wait3A_52 = arith.constant 0 : i32
      %dma_wait3A_53 = tpu.memref_slice %arg4[%add3A_18, %dma_wait3A_52] : memref<16384x128xf32, #tpu.memory_space<hbm>> -> memref<128x128xf32, #tpu.memory_space<hbm>>
      tpu.wait_dma2 semaphore(%run_scoped3A : memref<!tpu.dma_semaphore, #tpu.memory_space<semaphore_mem>>) src(%arg8 : memref<128x128xf32, #tpu.memory_space<vmem>>) dst(%dma_wait3A_53 : memref<128x128xf32, #tpu.memory_space<hbm>>)
      tpu.yield
    }) : () -> ()
    %add3A_25 = arith.constant 256 : i32
    %add3A_26 = arith.addi %mul3A_2, %add3A_25 : i32
    "tpu.region"() ({
      %run_scoped3A = tpu.sem_alloc : memref<!tpu.dma_semaphore, #tpu.memory_space<semaphore_mem>>
      %dma_start3A = arith.constant 0 : i32
      %dma_start3A_48 = tpu.memref_slice %arg2[%add3A_26, %dma_start3A] : memref<16384x128xf32, #tpu.memory_space<hbm>> -> memref<128x128xf32, #tpu.memory_space<hbm>>
      %dma_start3A_49 = arith.constant 0 : i32
      %dma_start3A_50 = tpu.memref_slice %arg2[%add3A_26, %dma_start3A_49] : memref<16384x128xf32, #tpu.memory_space<hbm>> -> memref<128x128xf32, #tpu.memory_space<hbm>>
      tpu.enqueue_dma source(%dma_start3A_50 : memref<128x128xf32, #tpu.memory_space<hbm>>) target(%arg6 : memref<128x128xf32, #tpu.memory_space<vmem>>) target_semaphore(%run_scoped3A : memref<!tpu.dma_semaphore, #tpu.memory_space<semaphore_mem>>)
      %dma_wait3A = arith.constant 0 : i32
      %dma_wait3A_51 = tpu.memref_slice %arg2[%add3A_26, %dma_wait3A] : memref<16384x128xf32, #tpu.memory_space<hbm>> -> memref<128x128xf32, #tpu.memory_space<hbm>>
      %dma_wait3A_52 = arith.constant 0 : i32
      %dma_wait3A_53 = tpu.memref_slice %arg2[%add3A_26, %dma_wait3A_52] : memref<16384x128xf32, #tpu.memory_space<hbm>> -> memref<128x128xf32, #tpu.memory_space<hbm>>
      tpu.wait_dma2 semaphore(%run_scoped3A : memref<!tpu.dma_semaphore, #tpu.memory_space<semaphore_mem>>) src(%dma_wait3A_53 : memref<128x128xf32, #tpu.memory_space<hbm>>) dst(%arg6 : memref<128x128xf32, #tpu.memory_space<vmem>>)
      tpu.yield
    }) : () -> ()
    %scan3A_27 = arith.constant 0 : i32
    %scan3A_28 = arith.constant 128 : i32
    %scan3A_29 = arith.addi %scan3A_27, %scan3A_28 : i32
    %scan3A_30 = arith.constant 1 : i32
    %scan3A_31:2 = scf.for %scan3A_48 = %scan3A_27 to %scan3A_29 step %scan3A_30 iter_args(%scan3A_49 = %scan3A_23#0, %scan3A_50 = %scan3A_23#1) -> (vector<16xf32>, vector<16xf32>)  : i32 {
      %get3A = arith.index_cast %scan3A_48 : i32 to index
      %get3A_51 = arith.constant 0 : index
      %get3A_52 = tpu.vector_load %arg6[%get3A, %get3A_51] {strides = array<i32>} : memref<128x128xf32, #tpu.memory_space<vmem>>, vector<16xf32>,
      %masked_sort3A = arith.constant dense<true> : vector<16xi1>
      %masked_sort3A_53, %masked_sort3A_54, %masked_sort3A_55 = tpu.sort %get3A_52, %iota3A masked %masked_sort3A {descending = true} : (vector<16xf32>, vector<16xi32>, vector<16xi1>) -> (vector<16xi1>, vector<16xf32>, vector<16xi32>)
      %broadcast_in_dim3A_56 = vector.shape_cast %mul3A_5 : vector<16xi32> to vector<16x1xi32>
      %gather3A = vector.shape_cast %broadcast_in_dim3A_56 : vector<16x1xi32> to vector<16xi32>
      %gather3A_57 = tpu.dynamic_gather %masked_sort3A_54[%gather3A] in [0] : vector<16xf32>, vector<16xi32> -> vector<16xf32>
      %broadcast_in_dim3A_58 = vector.shape_cast %add3A_8 : vector<16xi32> to vector<16x1xi32>
      %gather3A_59 = vector.shape_cast %broadcast_in_dim3A_58 : vector<16x1xi32> to vector<16xi32>
      %gather3A_60 = tpu.dynamic_gather %masked_sort3A_54[%gather3A_59] in [0] : vector<16xf32>, vector<16xi32> -> vector<16xf32>
      %sub3A = arith.subf %get3A_52, %gather3A_57 : vector<16xf32>
      %exp3A = math.exp %sub3A : vector<16xf32>
      %add3A_61 = arith.constant 1 : i32
      %add3A_62 = vector.broadcast %add3A_61 : i32 to vector<16xi32>
      %add3A_63 = arith.addi %iota3A, %add3A_62 : vector<16xi32>
      %and3A = arith.constant 15 : i32
      %and3A_64 = vector.broadcast %and3A : i32 to vector<16xi32>
      %and3A_65 = arith.andi %add3A_63, %and3A_64 : vector<16xi32>
      %broadcast_in_dim3A_66 = vector.shape_cast %and3A_65 : vector<16xi32> to vector<16x1xi32>
      %gather3A_67 = vector.shape_cast %broadcast_in_dim3A_66 : vector<16x1xi32> to vector<16xi32>
      %gather3A_68 = tpu.dynamic_gather %exp3A[%gather3A_67] in [0] : vector<16xf32>, vector<16xi32> -> vector<16xf32>
      %add3A_69 = arith.addf %exp3A, %gather3A_68 : vector<16xf32>
      %add3A_70 = arith.constant 2 : i32
      %add3A_71 = vector.broadcast %add3A_70 : i32 to vector<16xi32>
      %add3A_72 = arith.addi %iota3A, %add3A_71 : vector<16xi32>
      %and3A_73 = arith.constant 15 : i32
      %and3A_74 = vector.broadcast %and3A_73 : i32 to vector<16xi32>
      %and3A_75 = arith.andi %add3A_72, %and3A_74 : vector<16xi32>
      %broadcast_in_dim3A_76 = vector.shape_cast %and3A_75 : vector<16xi32> to vector<16x1xi32>
      %gather3A_77 = vector.shape_cast %broadcast_in_dim3A_76 : vector<16x1xi32> to vector<16xi32>
      %gather3A_78 = tpu.dynamic_gather %add3A_69[%gather3A_77] in [0] : vector<16xf32>, vector<16xi32> -> vector<16xf32>
      %add3A_79 = arith.addf %add3A_69, %gather3A_78 : vector<16xf32>
      %add3A_80 = arith.constant 4 : i32
      %add3A_81 = vector.broadcast %add3A_80 : i32 to vector<16xi32>
      %add3A_82 = arith.addi %iota3A, %add3A_81 : vector<16xi32>
      %and3A_83 = arith.constant 15 : i32
      %and3A_84 = vector.broadcast %and3A_83 : i32 to vector<16xi32>
      %and3A_85 = arith.andi %add3A_82, %and3A_84 : vector<16xi32>
      %broadcast_in_dim3A_86 = vector.shape_cast %and3A_85 : vector<16xi32> to vector<16x1xi32>
      %gather3A_87 = vector.shape_cast %broadcast_in_dim3A_86 : vector<16x1xi32> to vector<16xi32>
      %gather3A_88 = tpu.dynamic_gather %add3A_79[%gather3A_87] in [0] : vector<16xf32>, vector<16xi32> -> vector<16xf32>
      %add3A_89 = arith.addf %add3A_79, %gather3A_88 : vector<16xf32>
      %add3A_90 = arith.constant 8 : i32
      %add3A_91 = vector.broadcast %add3A_90 : i32 to vector<16xi32>
      %add3A_92 = arith.addi %iota3A, %add3A_91 : vector<16xi32>
      %and3A_93 = arith.constant 15 : i32
      %and3A_94 = vector.broadcast %and3A_93 : i32 to vector<16xi32>
      %and3A_95 = arith.andi %add3A_92, %and3A_94 : vector<16xi32>
      %broadcast_in_dim3A_96 = vector.shape_cast %and3A_95 : vector<16xi32> to vector<16x1xi32>
      %gather3A_97 = vector.shape_cast %broadcast_in_dim3A_96 : vector<16x1xi32> to vector<16xi32>
      %gather3A_98 = tpu.dynamic_gather %add3A_89[%gather3A_97] in [0] : vector<16xf32>, vector<16xi32> -> vector<16xf32>
      %add3A_99 = arith.addf %add3A_89, %gather3A_98 : vector<16xf32>
      %sub3A_100 = arith.subf %gather3A_60, %gather3A_57 : vector<16xf32>
      %exp3A_101 = math.exp %sub3A_100 : vector<16xf32>
      %add3A_102 = arith.constant 1.000000e+00 : f32
      %add3A_103 = vector.broadcast %add3A_102 : f32 to vector<16xf32>
      %add3A_104 = arith.addf %add3A_103, %exp3A_101 : vector<16xf32>
      %div3A = arith.divf %exp3A, %add3A_104 : vector<16xf32>
      %masked_sort3A_105 = arith.constant dense<true> : vector<16xi1>
      %masked_sort3A_106, %masked_sort3A_107, %masked_sort3A_108 = tpu.sort %get3A_52, %div3A masked %masked_sort3A_105 {descending = true} : (vector<16xf32>, vector<16xf32>, vector<16xi1>) -> (vector<16xi1>, vector<16xf32>, vector<16xf32>)
      %swap3A_109 = arith.index_cast %scan3A_48 : i32 to index
      %swap3A_110 = arith.constant 0 : index
      %swap3A_111 = tpu.vector_load %arg7[%swap3A_109, %swap3A_110] {strides = array<i32>} : memref<128x128xi32, #tpu.memory_space<vmem>>, vector<16xi32>,
      tpu.vector_store %arg7[%swap3A_109, %swap3A_110], %masked_sort3A_55 {strides = array<i32>} : memref<128x128xi32, #tpu.memory_space<vmem>>, vector<16xi32>,
      %swap3A_112 = arith.index_cast %scan3A_48 : i32 to index
      %swap3A_113 = arith.constant 0 : index
      %swap3A_114 = tpu.vector_load %arg8[%swap3A_112, %swap3A_113] {strides = array<i32>} : memref<128x128xf32, #tpu.memory_space<vmem>>, vector<16xf32>,
      tpu.vector_store %arg8[%swap3A_112, %swap3A_113], %masked_sort3A_108 {strides = array<i32>} : memref<128x128xf32, #tpu.memory_space<vmem>>, vector<16xf32>,
      %eq3A = arith.cmpf oeq, %get3A_52, %gather3A_57 : vector<16xf32>
      %convert_element_type3A = arith.extui %eq3A : vector<16xi1> to vector<16xi32>
      %convert_element_type3A_115 = arith.sitofp %convert_element_type3A : vector<16xi32> to vector<16xf32>
      %eq3A_116 = arith.cmpf oeq, %get3A_52, %gather3A_60 : vector<16xf32>
      %convert_element_type3A_117 = arith.extui %eq3A_116 : vector<16xi1> to vector<16xi32>
      %convert_element_type3A_118 = arith.sitofp %convert_element_type3A_117 : vector<16xi32> to vector<16xf32>
      %add3A_119 = arith.addf %scan3A_49, %convert_element_type3A_115 : vector<16xf32>
      %add3A_120 = arith.addf %add3A_119, %convert_element_type3A_118 : vector<16xf32>
      %div3A_121 = arith.divf %exp3A, %add3A_99 : vector<16xf32>
      %add3A_122 = arith.addf %scan3A_50, %div3A_121 : vector<16xf32>
      scf.yield %add3A_120, %add3A_122 : vector<16xf32>, vector<16xf32>
    }
    %scan3A_32 = arith.constant 128 : i32
    "tpu.region"() ({
      %run_scoped3A = tpu.sem_alloc : memref<!tpu.dma_semaphore, #tpu.memory_space<semaphore_mem>>
      %dma_start3A = arith.constant 0 : i32
      %dma_start3A_48 = tpu.memref_slice %arg3[%add3A_26, %dma_start3A] : memref<16384x128xi32, #tpu.memory_space<hbm>> -> memref<128x128xi32, #tpu.memory_space<hbm>>
      %dma_start3A_49 = arith.constant 0 : i32
      %dma_start3A_50 = tpu.memref_slice %arg3[%add3A_26, %dma_start3A_49] : memref<16384x128xi32, #tpu.memory_space<hbm>> -> memref<128x128xi32, #tpu.memory_space<hbm>>
      tpu.enqueue_dma source(%arg7 : memref<128x128xi32, #tpu.memory_space<vmem>>) target(%dma_start3A_50 : memref<128x128xi32, #tpu.memory_space<hbm>>) target_semaphore(%run_scoped3A : memref<!tpu.dma_semaphore, #tpu.memory_space<semaphore_mem>>)
      %dma_wait3A = arith.constant 0 : i32
      %dma_wait3A_51 = tpu.memref_slice %arg3[%add3A_26, %dma_wait3A] : memref<16384x128xi32, #tpu.memory_space<hbm>> -> memref<128x128xi32, #tpu.memory_space<hbm>>
      %dma_wait3A_52 = arith.constant 0 : i32
      %dma_wait3A_53 = tpu.memref_slice %arg3[%add3A_26, %dma_wait3A_52] : memref<16384x128xi32, #tpu.memory_space<hbm>> -> memref<128x128xi32, #tpu.memory_space<hbm>>
      tpu.wait_dma2 semaphore(%run_scoped3A : memref<!tpu.dma_semaphore, #tpu.memory_space<semaphore_mem>>) src(%arg7 : memref<128x128xi32, #tpu.memory_space<vmem>>) dst(%dma_wait3A_53 : memref<128x128xi32, #tpu.memory_space<hbm>>)
      tpu.yield
    }) : () -> ()
    "tpu.region"() ({
      %run_scoped3A = tpu.sem_alloc : memref<!tpu.dma_semaphore, #tpu.memory_space<semaphore_mem>>
      %dma_start3A = arith.constant 0 : i32
      %dma_start3A_48 = tpu.memref_slice %arg4[%add3A_26, %dma_start3A] : memref<16384x128xf32, #tpu.memory_space<hbm>> -> memref<128x128xf32, #tpu.memory_space<hbm>>
      %dma_start3A_49 = arith.constant 0 : i32
      %dma_start3A_50 = tpu.memref_slice %arg4[%add3A_26, %dma_start3A_49] : memref<16384x128xf32, #tpu.memory_space<hbm>> -> memref<128x128xf32, #tpu.memory_space<hbm>>
      tpu.enqueue_dma source(%arg8 : memref<128x128xf32, #tpu.memory_space<vmem>>) target(%dma_start3A_50 : memref<128x128xf32, #tpu.memory_space<hbm>>) target_semaphore(%run_scoped3A : memref<!tpu.dma_semaphore, #tpu.memory_space<semaphore_mem>>)
      %dma_wait3A = arith.constant 0 : i32
      %dma_wait3A_51 = tpu.memref_slice %arg4[%add3A_26, %dma_wait3A] : memref<16384x128xf32, #tpu.memory_space<hbm>> -> memref<128x128xf32, #tpu.memory_space<hbm>>
      %dma_wait3A_52 = arith.constant 0 : i32
      %dma_wait3A_53 = tpu.memref_slice %arg4[%add3A_26, %dma_wait3A_52] : memref<16384x128xf32, #tpu.memory_space<hbm>> -> memref<128x128xf32, #tpu.memory_space<hbm>>
      tpu.wait_dma2 semaphore(%run_scoped3A : memref<!tpu.dma_semaphore, #tpu.memory_space<semaphore_mem>>) src(%arg8 : memref<128x128xf32, #tpu.memory_space<vmem>>) dst(%dma_wait3A_53 : memref<128x128xf32, #tpu.memory_space<hbm>>)
      tpu.yield
    }) : () -> ()
    %add3A_33 = arith.constant 384 : i32
    %add3A_34 = arith.addi %mul3A_2, %add3A_33 : i32
    "tpu.region"() ({
      %run_scoped3A = tpu.sem_alloc : memref<!tpu.dma_semaphore, #tpu.memory_space<semaphore_mem>>
      %dma_start3A = arith.constant 0 : i32
      %dma_start3A_48 = tpu.memref_slice %arg2[%add3A_34, %dma_start3A] : memref<16384x128xf32, #tpu.memory_space<hbm>> -> memref<128x128xf32, #tpu.memory_space<hbm>>
      %dma_start3A_49 = arith.constant 0 : i32
      %dma_start3A_50 = tpu.memref_slice %arg2[%add3A_34, %dma_start3A_49] : memref<16384x128xf32, #tpu.memory_space<hbm>> -> memref<128x128xf32, #tpu.memory_space<hbm>>
      tpu.enqueue_dma source(%dma_start3A_50 : memref<128x128xf32, #tpu.memory_space<hbm>>) target(%arg6 : memref<128x128xf32, #tpu.memory_space<vmem>>) target_semaphore(%run_scoped3A : memref<!tpu.dma_semaphore, #tpu.memory_space<semaphore_mem>>)
      %dma_wait3A = arith.constant 0 : i32
      %dma_wait3A_51 = tpu.memref_slice %arg2[%add3A_34, %dma_wait3A] : memref<16384x128xf32, #tpu.memory_space<hbm>> -> memref<128x128xf32, #tpu.memory_space<hbm>>
      %dma_wait3A_52 = arith.constant 0 : i32
      %dma_wait3A_53 = tpu.memref_slice %arg2[%add3A_34, %dma_wait3A_52] : memref<16384x128xf32, #tpu.memory_space<hbm>> -> memref<128x128xf32, #tpu.memory_space<hbm>>
      tpu.wait_dma2 semaphore(%run_scoped3A : memref<!tpu.dma_semaphore, #tpu.memory_space<semaphore_mem>>) src(%dma_wait3A_53 : memref<128x128xf32, #tpu.memory_space<hbm>>) dst(%arg6 : memref<128x128xf32, #tpu.memory_space<vmem>>)
      tpu.yield
    }) : () -> ()
    %scan3A_35 = arith.constant 0 : i32
    %scan3A_36 = arith.constant 128 : i32
    %scan3A_37 = arith.addi %scan3A_35, %scan3A_36 : i32
    %scan3A_38 = arith.constant 1 : i32
    %scan3A_39:2 = scf.for %scan3A_48 = %scan3A_35 to %scan3A_37 step %scan3A_38 iter_args(%scan3A_49 = %scan3A_31#0, %scan3A_50 = %scan3A_31#1) -> (vector<16xf32>, vector<16xf32>)  : i32 {
      %get3A = arith.index_cast %scan3A_48 : i32 to index
      %get3A_51 = arith.constant 0 : index
      %get3A_52 = tpu.vector_load %arg6[%get3A, %get3A_51] {strides = array<i32>} : memref<128x128xf32, #tpu.memory_space<vmem>>, vector<16xf32>,
      %masked_sort3A = arith.constant dense<true> : vector<16xi1>
      %masked_sort3A_53, %masked_sort3A_54, %masked_sort3A_55 = tpu.sort %get3A_52, %iota3A masked %masked_sort3A {descending = true} : (vector<16xf32>, vector<16xi32>, vector<16xi1>) -> (vector<16xi1>, vector<16xf32>, vector<16xi32>)
      %broadcast_in_dim3A_56 = vector.shape_cast %mul3A_5 : vector<16xi32> to vector<16x1xi32>
      %gather3A = vector.shape_cast %broadcast_in_dim3A_56 : vector<16x1xi32> to vector<16xi32>
      %gather3A_57 = tpu.dynamic_gather %masked_sort3A_54[%gather3A] in [0] : vector<16xf32>, vector<16xi32> -> vector<16xf32>
      %broadcast_in_dim3A_58 = vector.shape_cast %add3A_8 : vector<16xi32> to vector<16x1xi32>
      %gather3A_59 = vector.shape_cast %broadcast_in_dim3A_58 : vector<16x1xi32> to vector<16xi32>
      %gather3A_60 = tpu.dynamic_gather %masked_sort3A_54[%gather3A_59] in [0] : vector<16xf32>, vector<16xi32> -> vector<16xf32>
      %sub3A = arith.subf %get3A_52, %gather3A_57 : vector<16xf32>
      %exp3A = math.exp %sub3A : vector<16xf32>
      %add3A_61 = arith.constant 1 : i32
      %add3A_62 = vector.broadcast %add3A_61 : i32 to vector<16xi32>
      %add3A_63 = arith.addi %iota3A, %add3A_62 : vector<16xi32>
      %and3A = arith.constant 15 : i32
      %and3A_64 = vector.broadcast %and3A : i32 to vector<16xi32>
      %and3A_65 = arith.andi %add3A_63, %and3A_64 : vector<16xi32>
      %broadcast_in_dim3A_66 = vector.shape_cast %and3A_65 : vector<16xi32> to vector<16x1xi32>
      %gather3A_67 = vector.shape_cast %broadcast_in_dim3A_66 : vector<16x1xi32> to vector<16xi32>
      %gather3A_68 = tpu.dynamic_gather %exp3A[%gather3A_67] in [0] : vector<16xf32>, vector<16xi32> -> vector<16xf32>
      %add3A_69 = arith.addf %exp3A, %gather3A_68 : vector<16xf32>
      %add3A_70 = arith.constant 2 : i32
      %add3A_71 = vector.broadcast %add3A_70 : i32 to vector<16xi32>
      %add3A_72 = arith.addi %iota3A, %add3A_71 : vector<16xi32>
      %and3A_73 = arith.constant 15 : i32
      %and3A_74 = vector.broadcast %and3A_73 : i32 to vector<16xi32>
      %and3A_75 = arith.andi %add3A_72, %and3A_74 : vector<16xi32>
      %broadcast_in_dim3A_76 = vector.shape_cast %and3A_75 : vector<16xi32> to vector<16x1xi32>
      %gather3A_77 = vector.shape_cast %broadcast_in_dim3A_76 : vector<16x1xi32> to vector<16xi32>
      %gather3A_78 = tpu.dynamic_gather %add3A_69[%gather3A_77] in [0] : vector<16xf32>, vector<16xi32> -> vector<16xf32>
      %add3A_79 = arith.addf %add3A_69, %gather3A_78 : vector<16xf32>
      %add3A_80 = arith.constant 4 : i32
      %add3A_81 = vector.broadcast %add3A_80 : i32 to vector<16xi32>
      %add3A_82 = arith.addi %iota3A, %add3A_81 : vector<16xi32>
      %and3A_83 = arith.constant 15 : i32
      %and3A_84 = vector.broadcast %and3A_83 : i32 to vector<16xi32>
      %and3A_85 = arith.andi %add3A_82, %and3A_84 : vector<16xi32>
      %broadcast_in_dim3A_86 = vector.shape_cast %and3A_85 : vector<16xi32> to vector<16x1xi32>
      %gather3A_87 = vector.shape_cast %broadcast_in_dim3A_86 : vector<16x1xi32> to vector<16xi32>
      %gather3A_88 = tpu.dynamic_gather %add3A_79[%gather3A_87] in [0] : vector<16xf32>, vector<16xi32> -> vector<16xf32>
      %add3A_89 = arith.addf %add3A_79, %gather3A_88 : vector<16xf32>
      %add3A_90 = arith.constant 8 : i32
      %add3A_91 = vector.broadcast %add3A_90 : i32 to vector<16xi32>
      %add3A_92 = arith.addi %iota3A, %add3A_91 : vector<16xi32>
      %and3A_93 = arith.constant 15 : i32
      %and3A_94 = vector.broadcast %and3A_93 : i32 to vector<16xi32>
      %and3A_95 = arith.andi %add3A_92, %and3A_94 : vector<16xi32>
      %broadcast_in_dim3A_96 = vector.shape_cast %and3A_95 : vector<16xi32> to vector<16x1xi32>
      %gather3A_97 = vector.shape_cast %broadcast_in_dim3A_96 : vector<16x1xi32> to vector<16xi32>
      %gather3A_98 = tpu.dynamic_gather %add3A_89[%gather3A_97] in [0] : vector<16xf32>, vector<16xi32> -> vector<16xf32>
      %add3A_99 = arith.addf %add3A_89, %gather3A_98 : vector<16xf32>
      %sub3A_100 = arith.subf %gather3A_60, %gather3A_57 : vector<16xf32>
      %exp3A_101 = math.exp %sub3A_100 : vector<16xf32>
      %add3A_102 = arith.constant 1.000000e+00 : f32
      %add3A_103 = vector.broadcast %add3A_102 : f32 to vector<16xf32>
      %add3A_104 = arith.addf %add3A_103, %exp3A_101 : vector<16xf32>
      %div3A = arith.divf %exp3A, %add3A_104 : vector<16xf32>
      %masked_sort3A_105 = arith.constant dense<true> : vector<16xi1>
      %masked_sort3A_106, %masked_sort3A_107, %masked_sort3A_108 = tpu.sort %get3A_52, %div3A masked %masked_sort3A_105 {descending = true} : (vector<16xf32>, vector<16xf32>, vector<16xi1>) -> (vector<16xi1>, vector<16xf32>, vector<16xf32>)
      %swap3A_109 = arith.index_cast %scan3A_48 : i32 to index
      %swap3A_110 = arith.constant 0 : index
      %swap3A_111 = tpu.vector_load %arg7[%swap3A_109, %swap3A_110] {strides = array<i32>} : memref<128x128xi32, #tpu.memory_space<vmem>>, vector<16xi32>,
      tpu.vector_store %arg7[%swap3A_109, %swap3A_110], %masked_sort3A_55 {strides = array<i32>} : memref<128x128xi32, #tpu.memory_space<vmem>>, vector<16xi32>,
      %swap3A_112 = arith.index_cast %scan3A_48 : i32 to index
      %swap3A_113 = arith.constant 0 : index
      %swap3A_114 = tpu.vector_load %arg8[%swap3A_112, %swap3A_113] {strides = array<i32>} : memref<128x128xf32, #tpu.memory_space<vmem>>, vector<16xf32>,
      tpu.vector_store %arg8[%swap3A_112, %swap3A_113], %masked_sort3A_108 {strides = array<i32>} : memref<128x128xf32, #tpu.memory_space<vmem>>, vector<16xf32>,
      %eq3A = arith.cmpf oeq, %get3A_52, %gather3A_57 : vector<16xf32>
      %convert_element_type3A = arith.extui %eq3A : vector<16xi1> to vector<16xi32>
      %convert_element_type3A_115 = arith.sitofp %convert_element_type3A : vector<16xi32> to vector<16xf32>
      %eq3A_116 = arith.cmpf oeq, %get3A_52, %gather3A_60 : vector<16xf32>
      %convert_element_type3A_117 = arith.extui %eq3A_116 : vector<16xi1> to vector<16xi32>
      %convert_element_type3A_118 = arith.sitofp %convert_element_type3A_117 : vector<16xi32> to vector<16xf32>
      %add3A_119 = arith.addf %scan3A_49, %convert_element_type3A_115 : vector<16xf32>
      %add3A_120 = arith.addf %add3A_119, %convert_element_type3A_118 : vector<16xf32>
      %div3A_121 = arith.divf %exp3A, %add3A_99 : vector<16xf32>
      %add3A_122 = arith.addf %scan3A_50, %div3A_121 : vector<16xf32>
      scf.yield %add3A_120, %add3A_122 : vector<16xf32>, vector<16xf32>
    }
    %scan3A_40 = arith.constant 128 : i32
    "tpu.region"() ({
      %run_scoped3A = tpu.sem_alloc : memref<!tpu.dma_semaphore, #tpu.memory_space<semaphore_mem>>
      %dma_start3A = arith.constant 0 : i32
      %dma_start3A_48 = tpu.memref_slice %arg3[%add3A_34, %dma_start3A] : memref<16384x128xi32, #tpu.memory_space<hbm>> -> memref<128x128xi32, #tpu.memory_space<hbm>>
      %dma_start3A_49 = arith.constant 0 : i32
      %dma_start3A_50 = tpu.memref_slice %arg3[%add3A_34, %dma_start3A_49] : memref<16384x128xi32, #tpu.memory_space<hbm>> -> memref<128x128xi32, #tpu.memory_space<hbm>>
      tpu.enqueue_dma source(%arg7 : memref<128x128xi32, #tpu.memory_space<vmem>>) target(%dma_start3A_50 : memref<128x128xi32, #tpu.memory_space<hbm>>) target_semaphore(%run_scoped3A : memref<!tpu.dma_semaphore, #tpu.memory_space<semaphore_mem>>)
      %dma_wait3A = arith.constant 0 : i32
      %dma_wait3A_51 = tpu.memref_slice %arg3[%add3A_34, %dma_wait3A] : memref<16384x128xi32, #tpu.memory_space<hbm>> -> memref<128x128xi32, #tpu.memory_space<hbm>>
      %dma_wait3A_52 = arith.constant 0 : i32
      %dma_wait3A_53 = tpu.memref_slice %arg3[%add3A_34, %dma_wait3A_52] : memref<16384x128xi32, #tpu.memory_space<hbm>> -> memref<128x128xi32, #tpu.memory_space<hbm>>
      tpu.wait_dma2 semaphore(%run_scoped3A : memref<!tpu.dma_semaphore, #tpu.memory_space<semaphore_mem>>) src(%arg7 : memref<128x128xi32, #tpu.memory_space<vmem>>) dst(%dma_wait3A_53 : memref<128x128xi32, #tpu.memory_space<hbm>>)
      tpu.yield
    }) : () -> ()
    "tpu.region"() ({
      %run_scoped3A = tpu.sem_alloc : memref<!tpu.dma_semaphore, #tpu.memory_space<semaphore_mem>>
      %dma_start3A = arith.constant 0 : i32
      %dma_start3A_48 = tpu.memref_slice %arg4[%add3A_34, %dma_start3A] : memref<16384x128xf32, #tpu.memory_space<hbm>> -> memref<128x128xf32, #tpu.memory_space<hbm>>
      %dma_start3A_49 = arith.constant 0 : i32
      %dma_start3A_50 = tpu.memref_slice %arg4[%add3A_34, %dma_start3A_49] : memref<16384x128xf32, #tpu.memory_space<hbm>> -> memref<128x128xf32, #tpu.memory_space<hbm>>
      tpu.enqueue_dma source(%arg8 : memref<128x128xf32, #tpu.memory_space<vmem>>) target(%dma_start3A_50 : memref<128x128xf32, #tpu.memory_space<hbm>>) target_semaphore(%run_scoped3A : memref<!tpu.dma_semaphore, #tpu.memory_space<semaphore_mem>>)
      %dma_wait3A = arith.constant 0 : i32
      %dma_wait3A_51 = tpu.memref_slice %arg4[%add3A_34, %dma_wait3A] : memref<16384x128xf32, #tpu.memory_space<hbm>> -> memref<128x128xf32, #tpu.memory_space<hbm>>
      %dma_wait3A_52 = arith.constant 0 : i32
      %dma_wait3A_53 = tpu.memref_slice %arg4[%add3A_34, %dma_wait3A_52] : memref<16384x128xf32, #tpu.memory_space<hbm>> -> memref<128x128xf32, #tpu.memory_space<hbm>>
      tpu.wait_dma2 semaphore(%run_scoped3A : memref<!tpu.dma_semaphore, #tpu.memory_space<semaphore_mem>>) src(%arg8 : memref<128x128xf32, #tpu.memory_space<vmem>>) dst(%dma_wait3A_53 : memref<128x128xf32, #tpu.memory_space<hbm>>)
      tpu.yield
    }) : () -> ()
    %swap3A = arith.constant 0 : i32
    %swap3A_41 = arith.index_cast %swap3A : i32 to index
    %swap3A_42 = arith.constant 0 : index
    %swap3A_43 = tpu.vector_load %arg9[%swap3A_41, %swap3A_42] {strides = array<i32>} : memref<1x128xf32, #tpu.memory_space<vmem>>, vector<16xf32>,
    tpu.vector_store %arg9[%swap3A_41, %swap3A_42], %scan3A_39#0 {strides = array<i32>} : memref<1x128xf32, #tpu.memory_space<vmem>>, vector<16xf32>,
    %swap3A_44 = arith.constant 0 : i32
    %swap3A_45 = arith.index_cast %swap3A_44 : i32 to index
    %swap3A_46 = arith.constant 16 : index
    %swap3A_47 = tpu.vector_load %arg9[%swap3A_45, %swap3A_46] {strides = array<i32>} : memref<1x128xf32, #tpu.memory_space<vmem>>, vector<16xf32>,
    tpu.vector_store %arg9[%swap3A_45, %swap3A_46], %scan3A_39#1 {strides = array<i32>} : memref<1x128xf32, #tpu.memory_space<vmem>>, vector<16xf32>,
    "tpu.region"() ({
      %run_scoped3A = tpu.sem_alloc : memref<!tpu.dma_semaphore, #tpu.memory_space<semaphore_mem>>
      %dma_start3A = arith.constant 0 : i32
      %dma_start3A_48 = tpu.memref_slice %arg5[%add3A, %dma_start3A] : memref<32x128xf32, #tpu.memory_space<hbm>> -> memref<1x128xf32, #tpu.memory_space<hbm>>
      %dma_start3A_49 = arith.constant 0 : i32
      %dma_start3A_50 = tpu.memref_slice %arg5[%add3A, %dma_start3A_49] : memref<32x128xf32, #tpu.memory_space<hbm>> -> memref<1x128xf32, #tpu.memory_space<hbm>>
      tpu.enqueue_dma source(%arg9 : memref<1x128xf32, #tpu.memory_space<vmem>>) target(%dma_start3A_50 : memref<1x128xf32, #tpu.memory_space<hbm>>) target_semaphore(%run_scoped3A : memref<!tpu.dma_semaphore, #tpu.memory_space<semaphore_mem>>)
      %dma_wait3A = arith.constant 0 : i32
      %dma_wait3A_51 = tpu.memref_slice %arg5[%add3A, %dma_wait3A] : memref<32x128xf32, #tpu.memory_space<hbm>> -> memref<1x128xf32, #tpu.memory_space<hbm>>
      %dma_wait3A_52 = arith.constant 0 : i32
      %dma_wait3A_53 = tpu.memref_slice %arg5[%add3A, %dma_wait3A_52] : memref<32x128xf32, #tpu.memory_space<hbm>> -> memref<1x128xf32, #tpu.memory_space<hbm>>
      tpu.wait_dma2 semaphore(%run_scoped3A : memref<!tpu.dma_semaphore, #tpu.memory_space<semaphore_mem>>) src(%arg9 : memref<1x128xf32, #tpu.memory_space<vmem>>) dst(%dma_wait3A_53 : memref<1x128xf32, #tpu.memory_space<hbm>>)
      tpu.yield
    }) : () -> ()
    return
  }
}

module attributes {stable_mosaic.version = 14 : i64} {
  func.func @_logits_body(%arg0: i32, %arg1: memref<1024x2048xf32, #tpu.memory_space<vmem>>, %arg2: memref<2048x16xf32, #tpu.memory_space<vmem>>, %arg3: memref<1024x128xf32, #tpu.memory_space<vmem>>) attributes {dimension_semantics = [#tpu.dimension_semantics<arbitrary>], iteration_bounds = array<i64: 16>, scalar_prefetch = 0 : i64, scratch_operands = 0 : i64, tpu.core_type = #tpu.core_type<tc>, window_params = [{transform_indices = @transform_0, window_bounds = array<i64: 1024, 2048>}, {pipeline_mode = #tpu.pipeline_mode<synchronous>, transform_indices = @transform_1, window_bounds = array<i64: 2048, 16>}, {transform_indices = @transform_2, window_bounds = array<i64: 1024, 128>}]} {
    %get3A = arith.constant 0 : index
    %get3A_0 = arith.constant 0 : index
    %get3A_1 = vector.load %arg1[%get3A, %get3A_0] : memref<1024x2048xf32, #tpu.memory_space<vmem>>, vector<1024x2048xf32>
    %get3A_2 = arith.constant 0 : index
    %get3A_3 = arith.constant 0 : index
    %get3A_4 = vector.load %arg2[%get3A_2, %get3A_3] : memref<2048x16xf32, #tpu.memory_space<vmem>>, vector<2048x16xf32>
    %dot_general3A = arith.constant dense<0.000000e+00> : vector<1024x16xf32>
    %dot_general3A_5 = tpu.matmul %get3A_1, %get3A_4, %dot_general3A {dimension_numbers = #tpu.dot_dimension_numbers<[1], [0], [0], [1], [0, 0, 1, 1], [], []>, transpose_lhs_hint = false} : vector<1024x2048xf32>, vector<2048x16xf32>, vector<1024x16xf32> -> vector<1024x16xf32>
    %swap3A = arith.constant 0 : index
    %swap3A_6 = arith.constant 0 : index
    %swap3A_7 = vector.load %arg3[%swap3A, %swap3A_6] : memref<1024x128xf32, #tpu.memory_space<vmem>>, vector<1024x16xf32>
    tpu.vector_store %arg3[%swap3A, %swap3A_6], %dot_general3A_5 {strides = array<i32>} : memref<1024x128xf32, #tpu.memory_space<vmem>>, vector<1024x16xf32>,
    return
  }
  func.func @transform_0(%arg0: i32) -> (i32, i32) {
    %c0_i32 = arith.constant 0 : i32
    %c0_i32_0 = arith.constant 0 : i32
    return %arg0, %c0_i32 : i32, i32
  }
  func.func @transform_1(%arg0: i32) -> (i32, i32) {
    %c0_i32 = arith.constant 0 : i32
    %c0_i32_0 = arith.constant 0 : i32
    %c0_i32_1 = arith.constant 0 : i32
    return %c0_i32, %c0_i32_0 : i32, i32
  }
  func.func @transform_2(%arg0: i32) -> (i32, i32) {
    %c0_i32 = arith.constant 0 : i32
    %c0_i32_0 = arith.constant 0 : i32
    return %arg0, %c0_i32 : i32, i32
  }
}

</mosaic_0001>

<sc_bundles>
// kernel: kernel.4.cloned.1.call-start
scs
__scs_entry_jumppad:
0x0: {  	(pc) =	sbr.rel $0x88, $3  }
0x1: {  	(tag) =	ssettag $0x0;
	lr =	simm.s32 $0x1  }
0x2: {  	[smem:$0x3F9F] =	sst lr;
	_ =	strace $0xD0000000  }
0x3: {  	_ = 	snop  }
0x4: {  	_ = 	snop  }
0x5: {  	_ = 	snop  }
0x6: {  	_ = 	snop  }
0x7: {  	_ = 	snop  }
__scs_overlays_trampoline_lowered:
0x8: {  	[smem:$0x3FAE] =	sst s0  }
0x9: {  	[smem:$0x3FAF] =	sst s1  }
0xa: {  	[smem:$0x3FB0] =	sst s2  }
0xb: {  	[smem:$0x3FB1] =	sst s3  }
0xc: {  	[smem:$0x3FB2] =	sst s4  }
0xd: {  	[smem:$0x3FB3] =	sst s5  }
0xe: {  	[smem:$0x3FB4] =	sst s6  }
0xf: {  	[smem:$0x3FB5] =	sst s7  }
0x10: {  	[smem:$0x3FB6] =	sst s8  }
0x11: {  	[smem:$0x3FB7] =	sst s9;
	s0 =	simm.s32 @!p0 $0x0  }
0x12: {  	s1 =	sld [smem:$0x3F9D];
	s0 =	simm.s32 @p0 $0x1  }
0x13: {  	[smem:$0x3FB8] =	sst s0;
	s0 =	simm.s32 @!p1 $0x0  }
0x14: {  	s2 =	sld [smem:$0x3F9C];
	s0 =	simm.s32 @p1 $0x1  }
0x15: {  	[smem:$0x3FB9] =	sst s0;
	s0 =	simm.s32 @!p2 $0x0  }
0x16: {  	s3 =	sld [smem:$0x3FDB];
	s0 =	simm.s32 @p2 $0x1  }
0x17: {  	s4 =	simm.s32 $0x1BF5;
	[smem:$0x3FBB] =	sst s0  }
0x18: {  	s0 =	sld [smem:$0x3F9E];
	_ =	swait.ge [sflag:s4], $0x0  }
0x19: {  	s7 =	sld [smem:$0x3F9F]  }
0x1a: {  	s8 =	sadd.s32 $0xFFFFE003, lr  }
0x1b: {  	s9 =	sadd.s32 $0xFFFFFEF7, lr;
	s5 =	simm.s32 $0xFFFFFFFF;
	p2 =	slt.u32 s8, $0xFFFFF086  }
0x1c: {  	p1 =	slt.u32 s9, $0xF7A;
	s5 =	simm.s32 @!p2 $0x0  }
0x1d: {  	s5 =	simm.s32 @p1 $0x1;
	p0 =	seq.s32 s7, s2  }
0x1e: {  	s7 =	smul.u32 @!p0 $0xF7A, s2;
	p2 =	seq.s32 @!p0 s5, $0x0  }
0x1f: {  	s9 =	smul.u32 $0xF7A, s1;
	s8 =	simm.s32 @!p0 $0x1BF5;
	p2 =	por !p2, p0  }
0x20: {  	[sflag:s8] =	ssyncset.s32 @!p0 $0xFFFFF086;
	s6 =	sadd.s32 @!p0 s3, s7;
	s7 =	simm.s32 @!p0 $0x108  }
0x21: {  	s3 =	sadd.s32 s3, s9;
	s6 =	sadd.s32 @!p0 $0x88, s6;
	s7 =	simm.s32 @p2 $0x1082  }
0x22: {  	[simem:s7], [sflag:s8] =	dma.local @!p0 [hbm:s6], $0xF7A  }
0x23: {  	s9 =	sor.u32 $0xD0000000, s2;
	s6 =	simm.s32 $0x108;
	_ =	swait.ge @!p0 [sflag:s8], $0x0  }
0x24: {  	s3 =	sadd.s32 $0x88, s3;
	s6 =	simm.s32 @!p1 $0x1082;
	[sflag:s4] =	ssyncset.s32 $0xFFFFF086  }
0x25: {  	[simem:s6], [sflag:s4] =	dma.local [hbm:s3], $0xF7A  }
0x26: {  	[smem:$0x3F9F] =	sst s1;
	(tag) =	ssettag s2;
	_ =	strace s9  }
0x27: {  	s1 =	sld [smem:$0x3FAF]  }
0x28: {  	s2 =	sld [smem:$0x3FB0]  }
0x29: {  	s4 =	sld [smem:$0x3FB2]  }
0x2a: {  	p0 =	seq.s32 s5, $0x0;
	s5 =	sld [smem:$0x3FB3]  }
0x2b: {  	s6 =	sld [smem:$0x3FB4]  }
0x2c: {  	s7 =	sld [smem:$0x3FB5]  }
0x2d: {  	s3 =	simm.s32 $0x108;
	s8 =	sld [smem:$0x3FB6]  }
0x2e: {  	s3 =	simm.s32 @!p0 $0x1082;
	s9 =	sld [smem:$0x3FB7]  }
0x2f: {  	lr =	sadd.s32 s0, s3;
	s0 =	sld [smem:$0x3FAE]  }
0x30: {  	s3 =	sld [smem:$0x3FB1]  }
0x31: {  	[smem:$0x3FBA] =	sst s10  }
0x32: {  	s10 =	sld [smem:$0x3FB8];
	_ =	sdelay $0x3  }
0x33: {  	p0 =	seq.s32 s10, $0x1;
	s10 =	sld [smem:$0x3FBA];
	_ =	sdelay $0x3  }
0x34: {  	[smem:$0x3FBA] =	sst s10  }
0x35: {  	s10 =	sld [smem:$0x3FB9];
	_ =	sdelay $0x3  }
0x36: {  	p1 =	seq.s32 s10, $0x1;
	s10 =	sld [smem:$0x3FBA];
	_ =	sdelay $0x3  }
0x37: {  	[smem:$0x3FBA] =	sst s10  }
0x38: {  	s10 =	sld [smem:$0x3FBB]  }
0x39: {  	_ = 	snop;
	(pc) =	sbr.ind lr, $3  }
0x3a: {  	_ = 	snop  }
0x3b: {  	_ = 	snop  }
0x3c: {  	p2 =	seq.s32 s10, $0x1;
	s10 =	sld [smem:$0x3FBA]  }
0x3d: {  	_ =	shalt  }
0x3e: {  	_ =	shalt  }
0x3f: {  	_ =	shalt  }
0x40: {  	_ =	shalt  }
0x41: {  	_ =	shalt  }
0x42: {  	_ =	shalt  }
0x43: {  	_ =	shalt  }
0x44: {  	_ =	shalt  }
0x45: {  	_ =	shalt  }
0x46: {  	_ =	shalt  }
0x47: {  	_ =	shalt  }
0x48: {  	_ =	shalt  }
0x49: {  	_ =	shalt  }
0x4a: {  	_ =	shalt  }
0x4b: {  	_ =	shalt  }
0x4c: {  	_ =	shalt  }
0x4d: {  	_ =	shalt  }
0x4e: {  	_ =	shalt  }
0x4f: {  	_ =	shalt  }
0x50: {  	_ =	shalt  }
0x51: {  	_ =	shalt  }
0x52: {  	_ =	shalt  }
0x53: {  	_ =	shalt  }
0x54: {  	_ =	shalt  }
0x55: {  	_ =	shalt  }
0x56: {  	_ =	shalt  }
0x57: {  	_ =	shalt  }
0x58: {  	_ =	shalt  }
0x59: {  	_ =	shalt  }
0x5a: {  	_ =	shalt  }
0x5b: {  	_ =	shalt  }
0x5c: {  	_ =	shalt  }
0x5d: {  	_ =	shalt  }
0x5e: {  	_ =	shalt  }
0x5f: {  	_ =	shalt  }
0x60: {  	_ =	shalt  }
0x61: {  	_ =	shalt  }
0x62: {  	_ =	shalt  }
0x63: {  	_ =	shalt  }
0x64: {  	_ =	shalt  }
0x65: {  	_ =	shalt  }
0x66: {  	_ =	shalt  }
0x67: {  	_ =	shalt  }
0x68: {  	_ =	shalt  }
0x69: {  	_ =	shalt  }
0x6a: {  	_ =	shalt  }
0x6b: {  	_ =	shalt  }
0x6c: {  	_ =	shalt  }
0x6d: {  	_ =	shalt  }
0x6e: {  	_ =	shalt  }
0x6f: {  	_ =	shalt  }
0x70: {  	_ =	shalt  }
0x71: {  	_ =	shalt  }
0x72: {  	_ =	shalt  }
0x73: {  	_ =	shalt  }
0x74: {  	_ =	shalt  }
0x75: {  	_ =	shalt  }
0x76: {  	_ =	shalt  }
0x77: {  	_ =	shalt  }
0x78: {  	_ =	shalt  }
0x79: {  	_ =	shalt  }
0x7a: {  	_ =	shalt  }
0x7b: {  	_ =	shalt  }
0x7c: {  	_ =	shalt  }
0x7d: {  	_ =	shalt  }
0x7e: {  	_ =	shalt  }
0x7f: {  	_ =	shalt  }
0x80: {  	_ =	shalt  }
0x81: {  	_ =	shalt  }
0x82: {  	_ =	shalt  }
0x83: {  	_ =	shalt  }
0x84: {  	_ =	shalt  }
0x85: {  	_ =	shalt  }
0x86: {  	_ =	shalt  }
0x87: {  	_ =	shalt  }
.Lfunc_end0:
.L_simem_size_0:
called_computation_lowered:
.L_overlay_start_0:
0x88: {  	s2 =	sld [smem:$0x3FD9]  }
0x89: {  	s3 =	sld [smem:$0x3FFE];
	_ =	sdelay $0x1  }
0x8a: {  	s1 =	srdreg.scid  }
0x8b: {  	s0 =	sand.u32 $0x1, s1  }
0x8c: {  	s16 =	sshll.u32 s0, $0xA;
	s2 =	sadd.s32 s3, s2  }
0x8d: {  	s2 =	sadd.s32 s2, s16  }
0x8e: {  	[smem:$0x3FC6] =	sst s2  }
0x8f: {  	_ = 	snop  }
0x90: {  	(tm) =	ssettm $0x1  }
0x91: {  	s17 =	sld [smem:$0x3FFB];
	_ =	sdelay $0x3  }
0x92: {  	_ =	strace s17  }
0x93: {  	s2 =	sld [smem:$0x3FFC];
	_ =	sdelay $0x3  }
0x94: {  	_ =	strace s2  }
0x95: {  	s2 =	sld [smem:$0x3FFD];
	_ =	sdelay $0x3  }
0x96: {  	_ =	strace s2  }
0x97: {  	_ =	strace $0x8FFFFFFF  }
0x98: {  	s18 =	sld [smem:$0x3FDB];
	_ =	sdelay $0x1  }
0x99: {  	s19 =	simm.s32 $_scs_section_size  }
0x9a: {  	s4 =	simm.s32 $_size__tile_overlayer_lowered;
	s5 =	simm.s32 $_tile_overlayer_lowered  }
0x9b: {  	s22 =	simm.s32 $0x1BFF;
	s21 =	sshll.u32 s5, $0x1;
	s2 =	sadd.s32 s19, s18  }
0x9c: {  	s6 =	simm.s32 $0x0;
	s20 =	sshll.u32 s4, $0x1;
	s4 =	sadd.s32 s21, s2  }
0x9d: {  	[timem:s6], [sflag:s22] =	dma.local [hbm:s4], s20  }
0x9e: {  	_ =	swait.ge [sflag:s22], s20  }
0x9f: {  	s3 =	ssub.s32 $0x0, s20;
	[sflag:s22] =	ssyncset.done $0x0  }
0xa0: {  	[sflag:s22] =	ssyncadd.s32 s3;
	_ =	sdelay $0x1  }
0xa1: {  	s23 =	simm.s32 $0x1B8B  }
0xa2: {  	_ =	swait.ge [sflag:s23], $0x1  }
0xa3: {  	[sflag:s23] =	ssyncset.done $0x0  }
0xa4: {  	s25 =	simm.s32 $0x1B8E;
	s24 =	sld [smem:$0x3FFE];
	[sflag:s23] =	ssyncadd.s32 $0xFFFFFFFF  }
0xa5: {  	s26 =	simm.s32 $execute0_lowered;
	[smem:$0x3FD2] =	sst s25  }
0xa6: {  	s4 =	sshll.u32 s26, $0x1;
	_ =	strace $0x80000046;
	[dreg:$0x1] =	wrdreg $0xFFFFFFFF  }
0xa7: {  	s28 =	simm.s32 $_size_execute0_lowered;
	s2 =	sadd.s32 s2, s4;
	[dreg:$0x0] =	wrdreg $0x0  }
0xa8: {  	s4 =	sshll.u32 s28, $0x1;
	[dreg:$0x2] =	wrdreg s2  }
0xa9: {  	[dreg:$0x3] =	wrdreg s4  }
0xaa: {  	[dreg:$0x4] =	wrdreg $0xC0  }
0xab: {  	_ =	task [dreg:s6], $0x5FFFF  }
0xac: {  	[dreg:$0x1] =	wrdreg $0xFFFFFFFF  }
0xad: {  	[dreg:$0x0] =	wrdreg $0x60  }
0xae: {  	[dreg:$0x2] =	wrdreg s24  }
0xaf: {  	[dreg:$0x3] =	wrdreg $0x9  }
0xb0: {  	_ =	task.clear_ibuf [dreg:s6], $0x4FFFF;
	_ =	strace $0x90000046  }
0xb1: {  	s29 =	simm.s32 $0x9;
	_ =	strace $0x80000048  }
0xb2: {  	_ =	swait.ge [sflag:s29], $0x1  }
0xb3: {  	[sflag:s29] =	ssyncadd.s32 $0xFFFFFFFF  }
0xb4: {  	_ =	strace $0x90000048  }
0xb5: {  	_ =	sfence  }
0xb6: {  	s30 =	sld [smem:$0x0];
	_ =	sdelay $0x2  }
0xb7: {  	s31 =	sshll.u32 s1, $0xD;
	s1 =	sshrl.u32 s1, $0x2  }
0xb8: {  	s3 =	sand.u32 $0x4000, s31;
	s1 =	sadd.s32 s1, s30  }
0xb9: {  	s0 =	sor.u32 s3, s0;
	s1 =	sshll.u32 s1, $0x11  }
0xba: {  	s0 =	sor.u32 s1, s0  }
0xbb: {  	s0 =	sadd.s32 $0x8F2B, s0  }
0xbc: {  	[sflag:s0] =	ssyncadd.remote.s32 $0x1  }
0xbd: {  	_ =	sfence.sel $0xFFFF  }
0xbe: {  	[dreg:$0x0] =	wrdreg $0xFFFFFFFF;
	(pc) =	sbr.abs _section_cstart, $3  }
0xbf: {  	[dreg:$0x1] =	wrdreg $0xFFFFFFFF  }
0xc0: {  	_ =	task.clear_ibuf [dreg:s6], $0x2FFFF;
	_ =	strace $0x9FFFFFFF  }
0xc1: {  	(tm) =	ssettm $0x7FFFFFFF  }
tec
execute0_lowered:
.L_overlay_start_1:
0x0: {  	(tag) =	ssettag $0x1  }
0x1: {  	s12 =	rddreg [dreg:$0x0]  }
0x2: {  	s0 =	rddreg [dreg:$0x1];
	s1 =	simm.s32 $0x0;
	s3 =	srdreg.scid  }
0x3: {  	v0 =	vimm.s32 $0xFEDCBA9;
	s2 =	stileid.u32;
	s18 =	simm.s32 $0x4000;
	s19 =	simm.s32 $0x8000  }
0x4: {  	v1 =	vimm.s32 $0x87654321;
	v3 =	vimm.s32 $0x10FEDCBA;
	s20 =	simm.s32 $0xC000;
	s21 =	simm.s32 $0x0;
	[smem:$0x7FF] =	sst s1  }
0x5: {  	v4 =	vimm.s32 $0x3210FEDC;
	v0 =	vunpack.c.l.s4.s8 v0;
	v1 =	vunpack.c.l.s4.s8 v1;
	s13 =	sadd.s32 $0x40000, s12;
	s3 =	sand.u32 $0x1, s3;
	s4 =	sshll.u32 s2, $0x1  }
0x6: {  	v5 =	vimm.s32 $0xFEDCBA98;
	v6 =	vimm.s32 $0xBA987654;
	s14 =	sadd.s32 $0x80000, s12;
	s4 =	sor.u32 s3, s4;
	s3 =	ssub.s32 $0x2, s3  }
0x7: {  	v7 =	vimm.s32 $0x76543210;
	_ =	strace $0x80000047;
	v2 =	vunpack.c.0.s8.s32 v0;
	v1 =	vunpack.c.0.s8.s32 v1;
	s5 =	sshll.u32 s4, $0x4;
	s6 =	sshrl.u32 s3, $0x1  }
0x8: {  	v5 =	vunpack.c.l.s4.s8 v5;
	v4 =	vunpack.c.l.s4.s8 v4;
	v6 =	vunpack.c.l.s4.s8 v6;
	s10 =	sshll.u32 s4, $0xD;
	s15 =	sadd.s32 s5, s12;
	s16 =	ssub.s32 s3, s6  }
0x9: {  	s3 =	sadd.s32 s12, s10;
	s4 =	sadd.s32 s13, s10;
	s5 =	sadd.s32 s14, s10;
	v1 =	vcombine.low v1, v2;
	v2 =	vunpack.c.l.s4.s8 v3;
	v3 =	vimm.s32 $0x98765432  }
0xa: {  	v7 =	vunpack.c.l.s4.s8 v7;
	v0 =	vlaneseq.u32;
	s8 =	sor.u32 $0x800, s10;
	s11 =	sor.u32 $0x1000, s10;
	s17 =	sor.u32 $0x1800, s10;
	v3 =	vunpack.c.l.s4.s8 v3  }
0xb: {  	v5 =	vunpack.c.0.s8.s32 v5;
	v4 =	vunpack.c.0.s8.s32 v4;
	v6 =	vunpack.c.0.s8.s32 v6;
	s6 =	sadd.s32 s12, s8;
	s7 =	sadd.s32 s13, s8;
	s8 =	sadd.s32 s14, s8  }
0xc: {  	v7 =	vunpack.c.0.s8.s32 v7;
	s9 =	sadd.s32 s12, s11;
	s10 =	sadd.s32 s13, s11;
	s11 =	sadd.s32 s14, s11;
	v2 =	vunpack.c.0.s8.s32 v2;
	v3 =	vunpack.c.0.s8.s32 v3  }
0xd: {  	s12 =	sadd.s32 s12, s17;
	s13 =	sadd.s32 s13, s17;
	s14 =	sadd.s32 s14, s17;
	v8 =	vand.u32 $0xF, v5;
	v4 =	vcombine.low v6, v4;
	v5 =	vimm.s32 $0x1  }
0xe: {  	s15 =	sadd.s32 $0xC0000, s15;
	s16 =	smax.u32 s16, $0x1;
	s17 =	simm.s32 $0x1;
	v6 =	vcombine.low v8, v7;
	v2 =	vcombine.low v3, v2;
	v3 =	vimm.s32 $0x0  }
.LBB2_1:
0xf: {  	[tilespmem:s1], [sflag:$0x1] =	stream.linear.gather [hbm4b:s3+s1], $0x4000, $0x38;
	[tilespmem:$0xC080] =	vst v63  }
0x10: {  	_ =	swait.ge [sflag:s17], $0x4000  }
0x11: {  	[sflag:s17] =	ssyncset.done $0x0  }
0x12: {  	s24 =	simm.s32 $0x0;
	[sflag:s17] =	ssyncadd.s32 $0xFFFFC000  }
0x13: {  	v11 =	vld [tilespmem:s24+$0x0];
	_ =	sdelay $0x4  }
0x14: {  	(xrf1) =	vsort.dscd.msk.f32 $0xffff, v11, v0;
	_ =	sdelay $0x2  }
0x15: {  	s22 =	simm.s32 $0x80  }
0x16: {  	v15 =	vld [tilespmem:s22+$0x0];
	_ =	sdelay $0x4  }
0x17: {  	(xrf1) =	vsort.dscd.msk.f32 $0xffff, v15, v0;
	_ =	sdelay $0x2  }
0x18: {  	s23 =	simm.s32 $0x100  }
0x19: {  	v8 =	vld [tilespmem:s23+$0x0]  }
0x1a: {  	v7, v9, _ =	vpop (xrf1)  }
0x1b: {  	v12 =	vperm.xlane v7, v3;
	v13 =	vperm.xlane v7, v5;
	_ =	sdelay $0x1  }
0x1c: {  	v7 =	vsub.f32 v13, v12  }
0x1d: {  	(xrf1) =	vsort.dscd.msk.f32 $0xffff, v8, v0;
	v10 =	vsub.f32 v11, v12  }
0x1e: {  	v7 =	vmul.f32 $1.442695020e+00, v7  }
0x1f: {  	v10 =	vmul.f32 $1.442695020e+00, v10  }
0x20: {  	(erf) = vpow2.f32 v7  }
0x21: {  	s25 =	simm.s32 $0x180;
	[tilespmem:s24+$0x4000] =	vst v9;
	(erf) = vpow2.f32 v10  }
0x22: {  	v10 =	vld [tilespmem:s25+$0x0];
	v7, v9, _ =	vpop (xrf1)  }
0x23: {  	v14 =	vperm.xlane v7, v3  }
0x24: {  	v16 =	vperm.xlane v7, v5  }
0x25: {  	v17 =	vsub.f32 v15, v14  }
0x26: {  	vm0 =	veq.f32 v11, v12;
	v7 =	vsub.f32 v16, v14  }
0x27: {  	v18 =	vsel vm0, $0x3F800000, v3;
	(xrf1) =	vsort.dscd.msk.f32 $0xffff, v10, v0;
	v17 =	vmul.f32 $1.442695020e+00, v17  }
0x28: {  	v12 =	vmul.f32 $1.442695020e+00, v7  }
0x29: {  	vm8 =	veq.f32 v11, v13;
	v7 =	vimm.f32 $0.0e+00;
	v19 =	vpop (erf)  }
0x2a: {  	[tilespmem:s22+$0x4000] =	vst v9;
	v9 =	vsel vm8, $0x3F800000, v3;
	v13 =	vadd.f32 v18, v7;
	(erf) = vpow2.f32 v12;
	v18 =	vpop (erf)  }
0x2b: {  	vm9 =	veq.f32 v15, v14;
	v19 =	vadd.f32 $1.000000000e+00, v19;
	(erf) = vpow2.f32 v17;
	v17, v20, _ =	vpop (xrf1)  }
0x2c: {  	v9 =	vadd.f32 v9, v13;
	v13 =	vperm.xlane v18, v1;
	v21 =	vperm.xlane v17, v3  }
0x2d: {  	v14 =	vperm.xlane v17, v5;
	(erf) = vrcp.f32 v19;
	v17 =	vsel vm9, $0x3F800000, v3  }
0x2e: {  	s26 =	simm.s32 $0x200;
	vm10 =	veq.f32 v15, v16;
	v9 =	vadd.f32 v17, v9;
	v17 =	vsub.f32 v8, v21  }
0x2f: {  	v22 =	vsel vm10, $0x3F800000, v3;
	v12 =	vld [tilespmem:s26+$0x0];
	v13 =	vadd.f32 v18, v13;
	v16 =	vsub.f32 v14, v21  }
0x30: {  	v22 =	vadd.f32 v22, v9;
	v9 =	vmul.f32 $1.442695020e+00, v17  }
0x31: {  	v19 =	vperm.xlane v13, v2;
	v16 =	vmul.f32 $1.442695020e+00, v16  }
0x32: {  	vm11 =	veq.f32 v8, v14;
	vm1 =	veq.f32 v8, v21  }
0x33: {  	v21 =	vsel vm1, $0x3F800000, v3;
	v13 =	vadd.f32 v13, v19;
	v14 =	vpop (erf);
	(erf) = vpow2.f32 v16  }
0x34: {  	(xrf1) =	vsort.dscd.msk.f32 $0xffff, v12, v0;
	v57 =	vsel vm11, $0x3F800000, v3;
	v21 =	vadd.f32 v21, v22;
	(erf) = vpow2.f32 v9;
	v9 =	vpop (erf)  }
0x35: {  	v14 =	vadd.f32 $1.000000000e+00, v14;
	v19 =	vperm.xlane v13, v4;
	v16, v17, _ =	vpop (xrf1);
	v22 =	vperm.xlane v9, v1  }
0x36: {  	v21 =	vadd.f32 v57, v21;
	v23 =	vperm.xlane v16, v3;
	v16 =	vperm.xlane v16, v5;
	v24 =	vpop (erf)  }
0x37: {  	(erf) = vrcp.f32 v14;
	v14 =	vmul.f32 v24, v18;
	v22 =	vadd.f32 v9, v22  }
0x38: {  	v13 =	vadd.f32 v13, v19;
	v19 =	vsub.f32 v16, v23;
	vm13 =	veq.f32 v10, v23  }
0x39: {  	vm12 =	veq.f32 v10, v16;
	(xrf1) =	vsort.dscd.msk.f32 $0xffff, v11, v14;
	v16 =	vsel vm13, $0x3F800000, v3;
	v14 =	vperm.xlane v22, v2  }
0x3a: {  	v16 =	vadd.f32 v16, v21  }
0x3b: {  	s28 =	simm.s32 $0x280;
	[tilespmem:s23+$0x4000] =	vst v20;
	v22 =	vadd.f32 v22, v14;
	v14 =	vsel vm12, $0x3F800000, v3  }
0x3c: {  	v16 =	vadd.f32 v14, v16;
	v14 =	vld [tilespmem:s28+$0x0];
	_ =	sdelay $0x1  }
0x3d: {  	v25 =	vsub.f32 v10, v23  }
0x3e: {  	v58 =	vperm.xlane v13, v6;
	v19 =	vmul.f32 $1.442695020e+00, v19  }
0x3f: {  	v11 =	vmul.f32 $1.442695020e+00, v25  }
0x40: {  	v13 =	vadd.f32 v13, v58;
	(erf) = vpow2.f32 v19;
	(xrf1) =	vsort.dscd.msk.f32 $0xffff, v14, v0  }
0x41: {  	(erf) = vpow2.f32 v11;
	v21, v23, _ =	vpop (xrf1)  }
0x42: {  	v19 =	vpop (erf);
	(erf) = vrcp.f32 v13;
	v59 =	vperm.xlane v22, v4  }
0x43: {  	v20 =	vperm.xlane v21, v3;
	v21 =	vperm.xlane v21, v5;
	v11 =	vpop (erf);
	v13 =	vadd.f32 $1.000000000e+00, v19  }
0x44: {  	s29 =	simm.s32 $0x300;
	[tilespmem:s25+$0x4000] =	vst v17;
	v19 =	vperm.xlane v11, v1;
	v22 =	vadd.f32 v22, v59  }
0x45: {  	v60 =	vpop (erf);
	v17 =	vsub.f32 v12, v20;
	v62 =	vsub.f32 v21, v20;
	(erf) = vrcp.f32 v13;
	v13 =	vld [tilespmem:s29+$0x0]  }
0x46: {  	vm14 =	veq.f32 v12, v21;
	v21 =	vadd.f32 v11, v19;
	v19 =	vperm.xlane v22, v6  }
0x47: {  	vm15 =	veq.f32 v12, v20;
	v61 =	vmul.f32 v60, v9  }
0x48: {  	v63 =	vsel vm15, $0x3F800000, v3;
	v17 =	vmul.f32 $1.442695020e+00, v17;
	v20 =	vmul.f32 $1.442695020e+00, v62  }
0x49: {  	[tilespmem:s26+$0x4000] =	vst v23;
	v25 =	vadd.f32 v63, v16;
	(xrf1) =	vsort.dscd.msk.f32 $0xffff, v15, v61  }
0x4a: {  	v23 =	vadd.f32 v22, v19;
	v22 =	vperm.xlane v21, v2;
	(erf) = vpow2.f32 v20;
	v19 =	vpop (erf);
	(xrf1) =	vsort.dscd.msk.f32 $0xffff, v13, v0  }
0x4b: {  	v26 =	vsel vm14, $0x3F800000, v3;
	(erf) = vpow2.f32 v17;
	v16 =	vpop (erf)  }
0x4c: {  	v15 =	vadd.f32 v26, v25;
	v22 =	vadd.f32 v21, v22;
	(erf) = vrcp.f32 v23;
	v17 =	vpop (erf)  }
0x4d: {  	s30 =	simm.s32 $0xE00;
	v20 =	vadd.f32 $1.000000000e+00, v19;
	v19 =	vperm.xlane v16, v1;
	v17 =	vmul.f32 v17, v18;
	_, v18, _ =	vpop (xrf1)  }
.LBB2_2:
0x4e: {  	s31 =	sshra.s32 s30, $0x2;
	p0 =	sne.s32 s30, $0xFE00;
	s30 =	sadd.s32 $0x200, s30;
	v21, v23, _ =	vpop (xrf1);
	v24 =	vperm.xlane v22, v4;
	[tilespmem:s24+$0x8000] =	vst v18;
	v18 =	vmov v10;
	v10 =	vmov v12  }
0x4f: {  	v12 =	vmovc v14;
	v14 =	vmovc v13;
	v25 =	vmov v9;
	v9 =	vmov v11;
	v11 =	vmov v16;
	s24 =	smov.u32 s22;
	s22 =	smov.u32 s23;
	s23 =	smov.u32 s25  }
0x50: {  	s25 =	smov.u32 s26;
	s26 =	smov.u32 s28;
	v13 =	vld [tilespmem:s31+$0x0];
	v16 =	vperm.xlane v21, v3;
	v21 =	vperm.xlane v21, v5;
	[tilespmem:s28+$0x4000] =	vst v23;
	v23 =	vpop (erf);
	v7 =	vadd.f32 v17, v7;
	s28 =	smov.u32 s29  }
0x51: {  	s29 =	smov.u32 s31;
	(erf) = vrcp.f32 v20;
	v17 =	vadd.f32 v22, v24;
	v20 =	vmul.f32 v23, v9  }
0x52: {  	v22 =	vsub.f32 v12, v16;
	v23 =	vsub.f32 v21, v16;
	vm0 =	veq.f32 v12, v21  }
0x53: {  	vm1 =	veq.f32 v12, v16;
	v21 =	vadd.f32 v11, v19;
	v26 =	vperm.xlane v17, v6  }
.Ltmp0:
0x54: {  	v19 =	vmul.f32 $1.442695020e+00, v22;
	v22 =	vmul.f32 $1.442695020e+00, v23;
	v23 =	vsel vm1, $0x3F800000, v3;
	(xrf1) =	vsort.dscd.msk.f32 $0xffff, v8, v20;
	v8 =	vmovc v18;
	(pc) =	sbr.rel @p0 .LBB2_2-.Ltmp0, $4  }
0x55: {  	v27 =	vsel vm0, $0x3F800000, v3;
	v24 =	vperm.xlane v21, v2;
	(xrf1) =	vsort.dscd.msk.f32 $0xffff, v13, v0;
	v20 =	vpop (erf);
	v17 =	vadd.f32 v17, v26  }
0x56: {  	v15 =	vadd.f32 v23, v15;
	(erf) = vpow2.f32 v22;
	v20 =	vadd.f32 $1.000000000e+00, v20;
	v16 =	vpop (erf)  }
0x57: {  	v22 =	vadd.f32 v21, v24;
	(erf) = vpow2.f32 v19;
	v19 =	vperm.xlane v16, v1;
	v21 =	vpop (erf)  }
0x58: {  	v15 =	vadd.f32 v27, v15;
	(erf) = vrcp.f32 v17;
	v17 =	vmul.f32 v21, v25;
	_, v18, _ =	vpop (xrf1)  }
0x59: {  	_ =	sdelay $0x2  }
0x5a: {  	v21, v25, _ =	vpop (xrf1)  }
0x5b: {  	v23 =	vperm.xlane v22, v4;
	v24 =	vperm.xlane v21, v3;
	_ =	sdelay $0x1  }
0x5c: {  	v21 =	vperm.xlane v21, v5;
	v22 =	vadd.f32 v22, v23;
	v23 =	vsub.f32 v14, v24  }
0x5d: {  	v26 =	vpop (erf)  }
0x5e: {  	v27 =	vsub.f32 v21, v24;
	v28 =	vpop (erf)  }
0x5f: {  	(erf) = vrcp.f32 v20;
	v29 =	vperm.xlane v22, v6;
	_, v30, _ =	vpop (xrf1)  }
0x60: {  	v31 =	vadd.f32 v16, v19;
	v32 =	vmul.f32 $1.442695020e+00, v23;
	v27 =	vmul.f32 $1.442695020e+00, v27;
	v23, v33, _ =	vpop (xrf1)  }
0x61: {  	v19 =	vpop (erf);
	v20 =	vperm.xlane v23, v3;
	v23 =	vperm.xlane v23, v5  }
0x62: {  	v34 =	vperm.xlane v31, v2;
	v35 =	vperm.xlane v19, v1  }
0x63: {  	v22 =	vadd.f32 v22, v29;
	(erf) = vpow2.f32 v27;
	v51 =	vsub.f32 v23, v20  }
0x64: {  	v28 =	vadd.f32 $1.000000000e+00, v28;
	(erf) = vpow2.f32 v32;
	v52 =	vadd.f32 v19, v35  }
0x65: {  	v53 =	vadd.f32 v31, v34;
	(erf) = vrcp.f32 v22;
	v22 =	vmul.f32 $1.442695020e+00, v51  }
0x66: {  	(erf) = vrcp.f32 v28;
	v54 =	vperm.xlane v52, v2  }
0x67: {  	(erf) = vpow2.f32 v22;
	v22 =	vperm.xlane v53, v4  }
0x68: {  	v55 =	vsub.f32 v13, v20  }
0x69: {  	v28 =	vadd.f32 v52, v54;
	v22 =	vadd.f32 v53, v22  }
0x6a: {  	v56 =	vmul.f32 $1.442695020e+00, v55  }
0x6b: {  	v29 =	vpop (erf);
	v57 =	vperm.xlane v28, v4;
	v59 =	vperm.xlane v22, v6  }
0x6c: {  	v58 =	vpop (erf)  }
0x6d: {  	v60 =	vpop (erf);
	(erf) = vpow2.f32 v56;
	v61 =	vadd.f32 v28, v57;
	v22 =	vadd.f32 v22, v59  }
0x6e: {  	v62 =	vpop (erf)  }
0x6f: {  	v63 =	vpop (erf);
	v42 =	vperm.xlane v61, v6  }
0x70: {  	v35 =	vadd.f32 $1.000000000e+00, v60;
	v36 =	vpop (erf)  }
0x71: {  	v27 =	vadd.f32 v61, v42;
	(erf) = vrcp.f32 v22;
	v22 =	vpop (erf)  }
0x72: {  	(erf) = vrcp.f32 v35;
	v22 =	vadd.f32 $1.000000000e+00, v22  }
0x73: {  	(erf) = vrcp.f32 v27  }
0x74: {  	(erf) = vrcp.f32 v22;
	_ =	sdelay $0x1  }
0x75: {  	v43 =	vperm.xlane v62, v1;
	v22 =	vpop (erf)  }
0x76: {  	v44 =	vperm.xlane v22, v1  }
0x77: {  	v27 =	vadd.f32 v62, v43  }
0x78: {  	v34 =	vadd.f32 v22, v44  }
0x79: {  	v26 =	vmul.f32 v26, v11;
	v45 =	vperm.xlane v27, v2;
	v37 =	vpop (erf)  }
0x7a: {  	v32 =	vmul.f32 v58, v16;
	v38 =	vpop (erf);
	v39 =	vperm.xlane v34, v2  }
0x7b: {  	(xrf1) =	vsort.dscd.msk.f32 $0xffff, v8, v26;
	v8 =	vmul.f32 v36, v19;
	v46 =	vadd.f32 v27, v45;
	v47 =	vpop (erf)  }
0x7c: {  	(xrf1) =	vsort.dscd.msk.f32 $0xffff, v10, v32;
	v10 =	vmul.f32 v38, v62;
	v48 =	vadd.f32 v34, v39;
	v49 =	vpop (erf)  }
0x7d: {  	(xrf1) =	vsort.dscd.msk.f32 $0xffff, v12, v8;
	v8 =	vperm.xlane v46, v4;
	v12 =	vmul.f32 v49, v22  }
0x7e: {  	(xrf1) =	vsort.dscd.msk.f32 $0xffff, v14, v10;
	v10 =	vperm.xlane v48, v4  }
0x7f: {  	v8 =	vadd.f32 v46, v8;
	(xrf1) =	vsort.dscd.msk.f32 $0xffff, v13, v12  }
0x80: {  	v10 =	vadd.f32 v48, v10  }
0x81: {  	v12 =	vperm.xlane v8, v6  }
0x82: {  	v50 =	vperm.xlane v10, v6  }
0x83: {  	v8 =	vadd.f32 v8, v12  }
0x84: {  	v10 =	vadd.f32 v10, v50  }
0x85: {  	(erf) = vrcp.f32 v8  }
0x86: {  	[tilespmem:s24+$0x8000] =	vst v18;
	(erf) = vrcp.f32 v10  }
0x87: {  	[tilespmem:s28+$0x4000] =	vst v25  }
0x88: {  	[tilespmem:s22+$0x8000] =	vst v30  }
0x89: {  	[tilespmem:s29+$0x4000] =	vst v33;
	_, v8, _ =	vpop (xrf1)  }
0x8a: {  	[tilespmem:s23+$0x8000] =	vst v8;
	_, v8, _ =	vpop (xrf1)  }
0x8b: {  	[tilespmem:s25+$0x8000] =	vst v8;
	_, v8, _ =	vpop (xrf1)  }
0x8c: {  	[tilespmem:s26+$0x8000] =	vst v8;
	_, v8, _ =	vpop (xrf1)  }
0x8d: {  	[tilespmem:s28+$0x8000] =	vst v8;
	_, v8, _ =	vpop (xrf1)  }
0x8e: {  	s31 =	simm.s32 $0x0;
	v10 =	vpop (erf);
	[tilespmem:s29+$0x8000] =	vst v8  }
0x8f: {  	v51 =	vpop (erf);
	[hbm4b:s4+s31] =	stream.linear.scatter [tilespmem:s18], [sflag:$0x1], $0x4000, $0x38;
	[tilespmem:$0xC080] =	vst v63  }
0x90: {  	_ =	swait.ge [sflag:s17], $0x4000  }
0x91: {  	[sflag:s17] =	ssyncset.done $0x0  }
0x92: {  	[sflag:s17] =	ssyncadd.s32 $0xFFFFC000  }
0x93: {  	[hbm4b:s5+s31] =	stream.linear.scatter [tilespmem:s19], [sflag:$0x1], $0x4000, $0x38;
	[tilespmem:$0xC080] =	vst v63  }
0x94: {  	_ =	swait.ge [sflag:s17], $0x4000  }
0x95: {  	[sflag:s17] =	ssyncset.done $0x0  }
0x96: {  	[sflag:s17] =	ssyncadd.s32 $0xFFFFC000  }
0x97: {  	[tilespmem:s31], [sflag:$0x1] =	stream.linear.gather [hbm4b:s6+s31], $0x4000, $0x38;
	[tilespmem:$0xC080] =	vst v63  }
0x98: {  	_ =	swait.ge [sflag:s17], $0x4000  }
0x99: {  	[sflag:s17] =	ssyncset.done $0x0  }
0x9a: {  	s24 =	simm.s32 $0x0;
	[sflag:s17] =	ssyncadd.s32 $0xFFFFC000  }
0x9b: {  	v52 =	vld [tilespmem:s24+$0x0];
	_ =	sdelay $0x4  }
0x9c: {  	(xrf1) =	vsort.dscd.msk.f32 $0xffff, v52, v0;
	_ =	sdelay $0x1  }
0x9d: {  	s22 =	simm.s32 $0x80  }
0x9e: {  	v18 =	vld [tilespmem:s22+$0x0];
	_ =	sdelay $0x4  }
0x9f: {  	(xrf1) =	vsort.dscd.msk.f32 $0xffff, v18, v0;
	_ =	sdelay $0x3  }
0xa0: {  	s23 =	simm.s32 $0x100  }
0xa1: {  	v8 =	vld [tilespmem:s23+$0x0]  }
0xa2: {  	v9 =	vmul.f32 v29, v9;
	v12, v53, _ =	vpop (xrf1)  }
0xa3: {  	v7 =	vadd.f32 v17, v7;
	v54 =	vperm.xlane v12, v3;
	v12 =	vperm.xlane v12, v5  }
0xa4: {  	vm0 =	veq.f32 v14, v24  }
0xa5: {  	vm1 =	veq.f32 v14, v21;
	v9 =	vadd.f32 v9, v7;
	v55 =	vsub.f32 v12, v54  }
0xa6: {  	v11 =	vmul.f32 v63, v11;
	v14 =	vsel vm0, $0x3F800000, v3;
	(xrf1) =	vsort.dscd.msk.f32 $0xffff, v8, v0;
	v17 =	vsub.f32 v52, v54  }
0xa7: {  	v14 =	vadd.f32 v14, v15;
	v15 =	vsel vm1, $0x3F800000, v3;
	v56 =	vmul.f32 $1.442695020e+00, v55  }
0xa8: {  	v17 =	vmul.f32 $1.442695020e+00, v17  }
0xa9: {  	vm4 =	veq.f32 v13, v23;
	v9 =	vadd.f32 v11, v9;
	s25 =	simm.s32 $0x180;
	[tilespmem:s24+$0x4000] =	vst v53;
	(erf) = vpow2.f32 v56  }
0xaa: {  	v11 =	vmul.f32 v37, v16;
	v14 =	vadd.f32 v15, v14;
	v15, v16, _ =	vpop (xrf1);
	v7 =	vld [tilespmem:s25+$0x0];
	(erf) = vpow2.f32 v17  }
0xab: {  	vm5 =	veq.f32 v13, v20;
	v13 =	vperm.xlane v15, v3;
	v15 =	vperm.xlane v15, v5  }
0xac: {  	v9 =	vadd.f32 v11, v9;
	v11 =	vmul.f32 v47, v19;
	v17 =	vsel vm5, $0x3F800000, v3  }
0xad: {  	v14 =	vadd.f32 v17, v14;
	v17 =	vsub.f32 v15, v13  }
0xae: {  	v9 =	vadd.f32 v11, v9;
	v11 =	vsub.f32 v18, v13  }
0xaf: {  	v19 =	vsel vm4, $0x3F800000, v3;
	v10 =	vmul.f32 v10, v62;
	(xrf1) =	vsort.dscd.msk.f32 $0xffff, v7, v0;
	v17 =	vmul.f32 $1.442695020e+00, v17  }
0xb0: {  	vm6 =	veq.f32 v52, v54;
	v11 =	vmul.f32 $1.442695020e+00, v11;
	v14 =	vadd.f32 v19, v14  }
0xb1: {  	v9 =	vadd.f32 v10, v9;
	vm7 =	veq.f32 v52, v12;
	v10 =	vsel vm6, $0x3F800000, v3  }
0xb2: {  	vm8 =	veq.f32 v18, v13;
	v10 =	vadd.f32 v10, v14;
	(erf) = vpow2.f32 v17;
	v19 =	vpop (erf)  }
0xb3: {  	v13 =	vmul.f32 v51, v22;
	v14 =	vsel vm7, $0x3F800000, v3;
	(erf) = vpow2.f32 v11;
	v17 =	vpop (erf)  }
0xb4: {  	[tilespmem:s22+$0x4000] =	vst v16;
	v10 =	vadd.f32 v14, v10;
	v16 =	vadd.f32 $1.000000000e+00, v19;
	v11, v19, _ =	vpop (xrf1);
	v14 =	vperm.xlane v17, v1  }
0xb5: {  	v20 =	vperm.xlane v11, v3;
	v11 =	vperm.xlane v11, v5  }
0xb6: {  	vm9 =	veq.f32 v18, v15;
	v9 =	vadd.f32 v13, v9;
	(erf) = vrcp.f32 v16  }
0xb7: {  	v16 =	vsel vm8, $0x3F800000, v3;
	v14 =	vadd.f32 v17, v14;
	v15 =	vsub.f32 v11, v20  }
0xb8: {  	s26 =	simm.s32 $0x200;
	v10 =	vadd.f32 v16, v10;
	v16 =	vsub.f32 v8, v20  }
0xb9: {  	v12 =	vld [tilespmem:s26+$0x0];
	v13 =	vsel vm9, $0x3F800000, v3;
	v21 =	vperm.xlane v14, v2;
	v15 =	vmul.f32 $1.442695020e+00, v15  }
0xba: {  	v13 =	vadd.f32 v13, v10;
	v10 =	vmul.f32 $1.442695020e+00, v16  }
0xbb: {  	v14 =	vadd.f32 v14, v21  }
0xbc: {  	vm10 =	veq.f32 v8, v11;
	vm11 =	veq.f32 v8, v20;
	v11 =	vpop (erf);
	(erf) = vpow2.f32 v15  }
0xbd: {  	v11 =	vadd.f32 $1.000000000e+00, v11;
	(erf) = vpow2.f32 v10;
	v20 =	vperm.xlane v14, v4;
	v15, v16, _ =	vpop (xrf1)  }
0xbe: {  	(xrf1) =	vsort.dscd.msk.f32 $0xffff, v12, v0;
	v21 =	vsel vm11, $0x3F800000, v3;
	v10 =	vpop (erf);
	v22 =	vperm.xlane v15, v3;
	v15 =	vperm.xlane v15, v5  }
0xbf: {  	v13 =	vadd.f32 v21, v13;
	(erf) = vrcp.f32 v11;
	v23 =	vpop (erf);
	v11 =	vadd.f32 v14, v20  }
0xc0: {  	v14 =	vmul.f32 v23, v17;
	v23 =	vsel vm10, $0x3F800000, v3;
	v20 =	vsub.f32 v15, v22  }
0xc1: {  	v57 =	vsub.f32 v7, v22;
	v13 =	vadd.f32 v23, v13;
	v23 =	vperm.xlane v11, v6  }
0xc2: {  	vm13 =	veq.f32 v7, v22;
	v20 =	vmul.f32 $1.442695020e+00, v20  }
0xc3: {  	(xrf1) =	vsort.dscd.msk.f32 $0xffff, v52, v14;
	v14 =	vmul.f32 $1.442695020e+00, v57;
	v22 =	vadd.f32 v11, v23;
	v11 =	vsel vm13, $0x3F800000, v3  }
0xc4: {  	vm12 =	veq.f32 v7, v15;
	v13 =	vadd.f32 v11, v13;
	(erf) = vpow2.f32 v20  }
0xc5: {  	s28 =	simm.s32 $0x280;
	[tilespmem:s23+$0x4000] =	vst v19;
	(erf) = vpow2.f32 v14;
	v14 =	vsel vm12, $0x3F800000, v3  }
0xc6: {  	v21 =	vperm.xlane v10, v1;
	v19 =	vadd.f32 v14, v13;
	v14 =	vld [tilespmem:s28+$0x0];
	_ =	sdelay $0x1  }
0xc7: {  	v21 =	vadd.f32 v10, v21;
	_ =	sdelay $0x1  }
0xc8: {  	v15 =	vperm.xlane v21, v2;
	v20 =	vpop (erf)  }
0xc9: {  	v11 =	vpop (erf);
	(xrf1) =	vsort.dscd.msk.f32 $0xffff, v14, v0  }
0xca: {  	v15 =	vadd.f32 v21, v15;
	(erf) = vrcp.f32 v22;
	v22, v23, _ =	vpop (xrf1)  }
0xcb: {  	v20 =	vadd.f32 $1.000000000e+00, v20;
	v59 =	vperm.xlane v22, v3;
	v13 =	vperm.xlane v22, v5  }
0xcc: {  	v58 =	vperm.xlane v15, v4  }
0xcd: {  	s29 =	simm.s32 $0x300;
	[tilespmem:s25+$0x4000] =	vst v16;
	v22 =	vpop (erf);
	(erf) = vrcp.f32 v20;
	v16 =	vsub.f32 v12, v59;
	v20 =	vsub.f32 v13, v59  }
0xce: {  	v21 =	vperm.xlane v11, v1;
	v15 =	vadd.f32 v15, v58;
	vm14 =	veq.f32 v12, v13;
	v13 =	vld [tilespmem:s29+$0x0]  }
0xcf: {  	v60 =	vmul.f32 $1.442695020e+00, v16;
	v16 =	vmul.f32 $1.442695020e+00, v20  }
0xd0: {  	v22 =	vmul.f32 v22, v10;
	v24 =	vperm.xlane v15, v6  }
0xd1: {  	v21 =	vadd.f32 v11, v21  }
0xd2: {  	vm15 =	veq.f32 v12, v59;
	[tilespmem:s26+$0x4000] =	vst v23;
	v23 =	vadd.f32 v15, v24;
	(xrf1) =	vsort.dscd.msk.f32 $0xffff, v18, v22;
	v15 =	vpop (erf)  }
0xd3: {  	v20 =	vsel vm15, $0x3F800000, v3;
	v62 =	vperm.xlane v21, v2;
	(erf) = vpow2.f32 v16;
	(xrf1) =	vsort.dscd.msk.f32 $0xffff, v13, v0;
	v16 =	vpop (erf)  }
0xd4: {  	v63 =	vsel vm14, $0x3F800000, v3;
	v61 =	vadd.f32 v20, v19;
	(erf) = vpow2.f32 v60;
	v18 =	vpop (erf)  }
0xd5: {  	v20 =	vadd.f32 $1.000000000e+00, v15;
	v22 =	vadd.f32 v21, v62;
	(erf) = vrcp.f32 v23  }
0xd6: {  	s30 =	simm.s32 $0xE00;
	v15 =	vadd.f32 v63, v61;
	v19 =	vperm.xlane v16, v1;
	v17 =	vmul.f32 v18, v17;
	_, v18, _ =	vpop (xrf1)  }
.LBB2_4:
0xd7: {  	s31 =	sshra.s32 s30, $0x2;
	p0 =	sne.s32 s30, $0xFE00;
	s30 =	sadd.s32 $0x200, s30;
	v21, v23, _ =	vpop (xrf1);
	v24 =	vperm.xlane v22, v4;
	[tilespmem:s24+$0x8000] =	vst v18;
	v18 =	vmov v7;
	v7 =	vmov v12  }
0xd8: {  	v12 =	vmovc v14;
	v14 =	vmovc v13;
	v25 =	vmov v10;
	v10 =	vmov v11;
	v11 =	vmov v16;
	s24 =	smov.u32 s22;
	s22 =	smov.u32 s23;
	s23 =	smov.u32 s25  }
0xd9: {  	s25 =	smov.u32 s26;
	s26 =	smov.u32 s28;
	v13 =	vld [tilespmem:s31+$0x0];
	v16 =	vperm.xlane v21, v3;
	v21 =	vperm.xlane v21, v5;
	[tilespmem:s28+$0x4000] =	vst v23;
	v23 =	vpop (erf);
	v9 =	vadd.f32 v17, v9;
	s28 =	smov.u32 s29  }
0xda: {  	s29 =	smov.u32 s31;
	(erf) = vrcp.f32 v20;
	v17 =	vadd.f32 v22, v24;
	v20 =	vmul.f32 v23, v10  }
0xdb: {  	v22 =	vsub.f32 v12, v16;
	v23 =	vsub.f32 v21, v16;
	vm0 =	veq.f32 v12, v21  }
0xdc: {  	vm1 =	veq.f32 v12, v16;
	v21 =	vadd.f32 v11, v19;
	v26 =	vperm.xlane v17, v6  }
.Ltmp1:
0xdd: {  	v19 =	vmul.f32 $1.442695020e+00, v22;
	v22 =	vmul.f32 $1.442695020e+00, v23;
	v23 =	vsel vm1, $0x3F800000, v3;
	(xrf1) =	vsort.dscd.msk.f32 $0xffff, v8, v20;
	v8 =	vmovc v18;
	(pc) =	sbr.rel @p0 .LBB2_4-.Ltmp1, $4  }
0xde: {  	v27 =	vsel vm0, $0x3F800000, v3;
	v24 =	vperm.xlane v21, v2;
	(xrf1) =	vsort.dscd.msk.f32 $0xffff, v13, v0;
	v20 =	vpop (erf);
	v17 =	vadd.f32 v17, v26  }
0xdf: {  	v15 =	vadd.f32 v23, v15;
	(erf) = vpow2.f32 v22;
	v20 =	vadd.f32 $1.000000000e+00, v20;
	v16 =	vpop (erf)  }
0xe0: {  	v22 =	vadd.f32 v21, v24;
	(erf) = vpow2.f32 v19;
	v19 =	vperm.xlane v16, v1;
	v21 =	vpop (erf)  }
0xe1: {  	v15 =	vadd.f32 v27, v15;
	(erf) = vrcp.f32 v17;
	v17 =	vmul.f32 v21, v25;
	_, v18, _ =	vpop (xrf1)  }
0xe2: {  	_ =	sdelay $0x2  }
0xe3: {  	v21, v25, _ =	vpop (xrf1)  }
0xe4: {  	v23 =	vperm.xlane v22, v4;
	v24 =	vperm.xlane v21, v3;
	_ =	sdelay $0x1  }
0xe5: {  	v21 =	vperm.xlane v21, v5;
	v22 =	vadd.f32 v22, v23;
	v23 =	vsub.f32 v14, v24  }
0xe6: {  	v26 =	vpop (erf)  }
0xe7: {  	v27 =	vsub.f32 v21, v24;
	v28 =	vpop (erf)  }
0xe8: {  	(erf) = vrcp.f32 v20;
	v29 =	vperm.xlane v22, v6;
	_, v30, _ =	vpop (xrf1)  }
0xe9: {  	v31 =	vadd.f32 v16, v19;
	v32 =	vmul.f32 $1.442695020e+00, v23;
	v27 =	vmul.f32 $1.442695020e+00, v27;
	v23, v33, _ =	vpop (xrf1)  }
0xea: {  	v19 =	vpop (erf);
	v20 =	vperm.xlane v23, v3;
	v23 =	vperm.xlane v23, v5  }
0xeb: {  	v34 =	vperm.xlane v31, v2;
	v35 =	vperm.xlane v19, v1  }
0xec: {  	v22 =	vadd.f32 v22, v29;
	(erf) = vpow2.f32 v27;
	v51 =	vsub.f32 v23, v20  }
0xed: {  	v28 =	vadd.f32 $1.000000000e+00, v28;
	(erf) = vpow2.f32 v32;
	v52 =	vadd.f32 v19, v35  }
0xee: {  	v53 =	vadd.f32 v31, v34;
	(erf) = vrcp.f32 v22;
	v22 =	vmul.f32 $1.442695020e+00, v51  }
0xef: {  	(erf) = vrcp.f32 v28;
	v54 =	vperm.xlane v52, v2  }
0xf0: {  	(erf) = vpow2.f32 v22;
	v22 =	vperm.xlane v53, v4  }
0xf1: {  	v55 =	vsub.f32 v13, v20  }
0xf2: {  	v28 =	vadd.f32 v52, v54;
	v22 =	vadd.f32 v53, v22  }
0xf3: {  	v56 =	vmul.f32 $1.442695020e+00, v55  }
0xf4: {  	v29 =	vpop (erf);
	v57 =	vperm.xlane v28, v4;
	v59 =	vperm.xlane v22, v6  }
0xf5: {  	v58 =	vpop (erf)  }
0xf6: {  	v60 =	vpop (erf);
	(erf) = vpow2.f32 v56;
	v61 =	vadd.f32 v28, v57;
	v22 =	vadd.f32 v22, v59  }
0xf7: {  	v62 =	vpop (erf)  }
0xf8: {  	v63 =	vpop (erf);
	v42 =	vperm.xlane v61, v6  }
0xf9: {  	v35 =	vadd.f32 $1.000000000e+00, v60;
	v36 =	vpop (erf)  }
0xfa: {  	v27 =	vadd.f32 v61, v42;
	(erf) = vrcp.f32 v22;
	v22 =	vpop (erf)  }
0xfb: {  	(erf) = vrcp.f32 v35;
	v22 =	vadd.f32 $1.000000000e+00, v22  }
0xfc: {  	(erf) = vrcp.f32 v27  }
0xfd: {  	(erf) = vrcp.f32 v22;
	_ =	sdelay $0x1  }
0xfe: {  	v43 =	vperm.xlane v62, v1;
	v22 =	vpop (erf)  }
0xff: {  	v44 =	vperm.xlane v22, v1  }
0x100: {  	v27 =	vadd.f32 v62, v43  }
0x101: {  	v34 =	vadd.f32 v22, v44  }
0x102: {  	v26 =	vmul.f32 v26, v11;
	v45 =	vperm.xlane v27, v2;
	v37 =	vpop (erf)  }
0x103: {  	v32 =	vmul.f32 v58, v16;
	v38 =	vpop (erf);
	v39 =	vperm.xlane v34, v2  }
0x104: {  	(xrf1) =	vsort.dscd.msk.f32 $0xffff, v8, v26;
	v8 =	vmul.f32 v36, v19;
	v46 =	vadd.f32 v27, v45;
	v47 =	vpop (erf)  }
0x105: {  	(xrf1) =	vsort.dscd.msk.f32 $0xffff, v7, v32;
	v7 =	vmul.f32 v38, v62;
	v48 =	vadd.f32 v34, v39;
	v49 =	vpop (erf)  }
0x106: {  	(xrf1) =	vsort.dscd.msk.f32 $0xffff, v12, v8;
	v8 =	vperm.xlane v46, v4;
	v12 =	vmul.f32 v49, v22  }
0x107: {  	(xrf1) =	vsort.dscd.msk.f32 $0xffff, v14, v7;
	v7 =	vperm.xlane v48, v4  }
0x108: {  	v8 =	vadd.f32 v46, v8;
	(xrf1) =	vsort.dscd.msk.f32 $0xffff, v13, v12  }
0x109: {  	v7 =	vadd.f32 v48, v7  }
0x10a: {  	v12 =	vperm.xlane v8, v6  }
0x10b: {  	v50 =	vperm.xlane v7, v6  }
0x10c: {  	v8 =	vadd.f32 v8, v12  }
0x10d: {  	v7 =	vadd.f32 v7, v50  }
0x10e: {  	(erf) = vrcp.f32 v8  }
0x10f: {  	[tilespmem:s24+$0x8000] =	vst v18;
	(erf) = vrcp.f32 v7  }
0x110: {  	[tilespmem:s28+$0x4000] =	vst v25  }
0x111: {  	[tilespmem:s22+$0x8000] =	vst v30  }
0x112: {  	[tilespmem:s29+$0x4000] =	vst v33;
	_, v7, _ =	vpop (xrf1)  }
0x113: {  	[tilespmem:s23+$0x8000] =	vst v7;
	_, v7, _ =	vpop (xrf1)  }
0x114: {  	[tilespmem:s25+$0x8000] =	vst v7;
	_, v7, _ =	vpop (xrf1)  }
0x115: {  	[tilespmem:s26+$0x8000] =	vst v7;
	_, v7, _ =	vpop (xrf1)  }
0x116: {  	[tilespmem:s28+$0x8000] =	vst v7;
	_, v7, _ =	vpop (xrf1)  }
0x117: {  	s31 =	simm.s32 $0x0;
	v8 =	vpop (erf);
	[tilespmem:s29+$0x8000] =	vst v7  }
0x118: {  	v51 =	vpop (erf);
	[hbm4b:s7+s31] =	stream.linear.scatter [tilespmem:s18], [sflag:$0x1], $0x4000, $0x38;
	[tilespmem:$0xC080] =	vst v63  }
0x119: {  	_ =	swait.ge [sflag:s17], $0x4000  }
0x11a: {  	[sflag:s17] =	ssyncset.done $0x0  }
0x11b: {  	[sflag:s17] =	ssyncadd.s32 $0xFFFFC000  }
0x11c: {  	[hbm4b:s8+s31] =	stream.linear.scatter [tilespmem:s19], [sflag:$0x1], $0x4000, $0x38;
	[tilespmem:$0xC080] =	vst v63  }
0x11d: {  	_ =	swait.ge [sflag:s17], $0x4000  }
0x11e: {  	[sflag:s17] =	ssyncset.done $0x0  }
0x11f: {  	[sflag:s17] =	ssyncadd.s32 $0xFFFFC000  }
0x120: {  	[tilespmem:s31], [sflag:$0x1] =	stream.linear.gather [hbm4b:s9+s31], $0x4000, $0x38;
	[tilespmem:$0xC080] =	vst v63  }
0x121: {  	_ =	swait.ge [sflag:s17], $0x4000  }
0x122: {  	[sflag:s17] =	ssyncset.done $0x0  }
0x123: {  	s24 =	simm.s32 $0x0;
	[sflag:s17] =	ssyncadd.s32 $0xFFFFC000  }
0x124: {  	v52 =	vld [tilespmem:s24+$0x0];
	_ =	sdelay $0x4  }
0x125: {  	(xrf1) =	vsort.dscd.msk.f32 $0xffff, v52, v0;
	_ =	sdelay $0x1  }
0x126: {  	s22 =	simm.s32 $0x80  }
0x127: {  	v18 =	vld [tilespmem:s22+$0x0];
	_ =	sdelay $0x4  }
0x128: {  	(xrf1) =	vsort.dscd.msk.f32 $0xffff, v18, v0;
	_ =	sdelay $0x3  }
0x129: {  	s23 =	simm.s32 $0x100  }
0x12a: {  	v7 =	vld [tilespmem:s23+$0x0]  }
0x12b: {  	v10 =	vmul.f32 v29, v10;
	v12, v53, _ =	vpop (xrf1)  }
0x12c: {  	v9 =	vadd.f32 v17, v9;
	v54 =	vperm.xlane v12, v3;
	v12 =	vperm.xlane v12, v5  }
0x12d: {  	vm0 =	veq.f32 v14, v24  }
0x12e: {  	vm1 =	veq.f32 v14, v21;
	v10 =	vadd.f32 v10, v9;
	v55 =	vsub.f32 v12, v54  }
0x12f: {  	v11 =	vmul.f32 v63, v11;
	v14 =	vsel vm0, $0x3F800000, v3;
	(xrf1) =	vsort.dscd.msk.f32 $0xffff, v7, v0;
	v17 =	vsub.f32 v52, v54  }
0x130: {  	v14 =	vadd.f32 v14, v15;
	v15 =	vsel vm1, $0x3F800000, v3;
	v56 =	vmul.f32 $1.442695020e+00, v55  }
0x131: {  	v17 =	vmul.f32 $1.442695020e+00, v17  }
0x132: {  	vm4 =	veq.f32 v13, v23;
	v10 =	vadd.f32 v11, v10;
	s25 =	simm.s32 $0x180;
	[tilespmem:s24+$0x4000] =	vst v53;
	(erf) = vpow2.f32 v56  }
0x133: {  	v11 =	vmul.f32 v37, v16;
	v14 =	vadd.f32 v15, v14;
	v15, v16, _ =	vpop (xrf1);
	v9 =	vld [tilespmem:s25+$0x0];
	(erf) = vpow2.f32 v17  }
0x134: {  	vm5 =	veq.f32 v13, v20;
	v13 =	vperm.xlane v15, v3;
	v15 =	vperm.xlane v15, v5  }
0x135: {  	v10 =	vadd.f32 v11, v10;
	v11 =	vmul.f32 v47, v19;
	v17 =	vsel vm5, $0x3F800000, v3  }
0x136: {  	v14 =	vadd.f32 v17, v14;
	v17 =	vsub.f32 v15, v13  }
0x137: {  	v10 =	vadd.f32 v11, v10;
	v11 =	vsub.f32 v18, v13  }
0x138: {  	v19 =	vsel vm4, $0x3F800000, v3;
	v8 =	vmul.f32 v8, v62;
	(xrf1) =	vsort.dscd.msk.f32 $0xffff, v9, v0;
	v17 =	vmul.f32 $1.442695020e+00, v17  }
0x139: {  	vm6 =	veq.f32 v52, v54;
	v11 =	vmul.f32 $1.442695020e+00, v11;
	v14 =	vadd.f32 v19, v14  }
0x13a: {  	v8 =	vadd.f32 v8, v10;
	vm7 =	veq.f32 v52, v12;
	v10 =	vsel vm6, $0x3F800000, v3  }
0x13b: {  	vm8 =	veq.f32 v18, v13;
	v10 =	vadd.f32 v10, v14;
	(erf) = vpow2.f32 v17;
	v19 =	vpop (erf)  }
0x13c: {  	v13 =	vmul.f32 v51, v22;
	v14 =	vsel vm7, $0x3F800000, v3;
	(erf) = vpow2.f32 v11;
	v17 =	vpop (erf)  }
0x13d: {  	[tilespmem:s22+$0x4000] =	vst v16;
	v10 =	vadd.f32 v14, v10;
	v16 =	vadd.f32 $1.000000000e+00, v19;
	v11, v19, _ =	vpop (xrf1);
	v14 =	vperm.xlane v17, v1  }
0x13e: {  	v20 =	vperm.xlane v11, v3;
	v11 =	vperm.xlane v11, v5  }
0x13f: {  	vm9 =	veq.f32 v18, v15;
	v8 =	vadd.f32 v13, v8;
	(erf) = vrcp.f32 v16  }
0x140: {  	v16 =	vsel vm8, $0x3F800000, v3;
	v14 =	vadd.f32 v17, v14;
	v15 =	vsub.f32 v11, v20  }
0x141: {  	s26 =	simm.s32 $0x200;
	v10 =	vadd.f32 v16, v10;
	v16 =	vsub.f32 v7, v20  }
0x142: {  	v12 =	vld [tilespmem:s26+$0x0];
	v13 =	vsel vm9, $0x3F800000, v3;
	v21 =	vperm.xlane v14, v2;
	v15 =	vmul.f32 $1.442695020e+00, v15  }
0x143: {  	v13 =	vadd.f32 v13, v10;
	v10 =	vmul.f32 $1.442695020e+00, v16  }
0x144: {  	v14 =	vadd.f32 v14, v21  }
0x145: {  	vm10 =	veq.f32 v7, v11;
	vm11 =	veq.f32 v7, v20;
	v11 =	vpop (erf);
	(erf) = vpow2.f32 v15  }
0x146: {  	v11 =	vadd.f32 $1.000000000e+00, v11;
	(erf) = vpow2.f32 v10;
	v20 =	vperm.xlane v14, v4;
	v15, v16, _ =	vpop (xrf1)  }
0x147: {  	(xrf1) =	vsort.dscd.msk.f32 $0xffff, v12, v0;
	v21 =	vsel vm11, $0x3F800000, v3;
	v10 =	vpop (erf);
	v22 =	vperm.xlane v15, v3;
	v15 =	vperm.xlane v15, v5  }
0x148: {  	v13 =	vadd.f32 v21, v13;
	(erf) = vrcp.f32 v11;
	v23 =	vpop (erf);
	v11 =	vadd.f32 v14, v20  }
0x149: {  	v14 =	vmul.f32 v23, v17;
	v23 =	vsel vm10, $0x3F800000, v3;
	v20 =	vsub.f32 v15, v22  }
0x14a: {  	v57 =	vsub.f32 v9, v22;
	v13 =	vadd.f32 v23, v13;
	v23 =	vperm.xlane v11, v6  }
0x14b: {  	vm13 =	veq.f32 v9, v22;
	v20 =	vmul.f32 $1.442695020e+00, v20  }
0x14c: {  	(xrf1) =	vsort.dscd.msk.f32 $0xffff, v52, v14;
	v14 =	vmul.f32 $1.442695020e+00, v57;
	v22 =	vadd.f32 v11, v23;
	v11 =	vsel vm13, $0x3F800000, v3  }
0x14d: {  	vm12 =	veq.f32 v9, v15;
	v13 =	vadd.f32 v11, v13;
	(erf) = vpow2.f32 v20  }
0x14e: {  	s28 =	simm.s32 $0x280;
	[tilespmem:s23+$0x4000] =	vst v19;
	(erf) = vpow2.f32 v14;
	v14 =	vsel vm12, $0x3F800000, v3  }
0x14f: {  	v21 =	vperm.xlane v10, v1;
	v19 =	vadd.f32 v14, v13;
	v14 =	vld [tilespmem:s28+$0x0];
	_ =	sdelay $0x1  }
0x150: {  	v21 =	vadd.f32 v10, v21;
	_ =	sdelay $0x1  }
0x151: {  	v15 =	vperm.xlane v21, v2;
	v20 =	vpop (erf)  }
0x152: {  	v11 =	vpop (erf);
	(xrf1) =	vsort.dscd.msk.f32 $0xffff, v14, v0  }
0x153: {  	v15 =	vadd.f32 v21, v15;
	(erf) = vrcp.f32 v22;
	v22, v23, _ =	vpop (xrf1)  }
0x154: {  	v20 =	vadd.f32 $1.000000000e+00, v20;
	v59 =	vperm.xlane v22, v3;
	v13 =	vperm.xlane v22, v5  }
0x155: {  	v58 =	vperm.xlane v15, v4  }
0x156: {  	s29 =	simm.s32 $0x300;
	[tilespmem:s25+$0x4000] =	vst v16;
	v22 =	vpop (erf);
	(erf) = vrcp.f32 v20;
	v16 =	vsub.f32 v12, v59;
	v20 =	vsub.f32 v13, v59  }
0x157: {  	v21 =	vperm.xlane v11, v1;
	v15 =	vadd.f32 v15, v58;
	vm14 =	veq.f32 v12, v13;
	v13 =	vld [tilespmem:s29+$0x0]  }
0x158: {  	v60 =	vmul.f32 $1.442695020e+00, v16;
	v16 =	vmul.f32 $1.442695020e+00, v20  }
0x159: {  	v22 =	vmul.f32 v22, v10;
	v24 =	vperm.xlane v15, v6  }
0x15a: {  	v21 =	vadd.f32 v11, v21  }
0x15b: {  	vm15 =	veq.f32 v12, v59;
	[tilespmem:s26+$0x4000] =	vst v23;
	v23 =	vadd.f32 v15, v24;
	(xrf1) =	vsort.dscd.msk.f32 $0xffff, v18, v22;
	v15 =	vpop (erf)  }
0x15c: {  	v20 =	vsel vm15, $0x3F800000, v3;
	v62 =	vperm.xlane v21, v2;
	(erf) = vpow2.f32 v16;
	(xrf1) =	vsort.dscd.msk.f32 $0xffff, v13, v0;
	v16 =	vpop (erf)  }
0x15d: {  	v63 =	vsel vm14, $0x3F800000, v3;
	v61 =	vadd.f32 v20, v19;
	(erf) = vpow2.f32 v60;
	v18 =	vpop (erf)  }
0x15e: {  	v20 =	vadd.f32 $1.000000000e+00, v15;
	v22 =	vadd.f32 v21, v62;
	(erf) = vrcp.f32 v23  }
0x15f: {  	s30 =	simm.s32 $0xE00;
	v15 =	vadd.f32 v63, v61;
	v19 =	vperm.xlane v16, v1;
	v17 =	vmul.f32 v18, v17;
	_, v18, _ =	vpop (xrf1)  }
.LBB2_6:
0x160: {  	s31 =	sshra.s32 s30, $0x2;
	p0 =	sne.s32 s30, $0xFE00;
	s30 =	sadd.s32 $0x200, s30;
	v21, v23, _ =	vpop (xrf1);
	v24 =	vperm.xlane v22, v4;
	[tilespmem:s24+$0x8000] =	vst v18;
	v18 =	vmov v9;
	v9 =	vmov v12  }
0x161: {  	v12 =	vmovc v14;
	v14 =	vmovc v13;
	v25 =	vmov v10;
	v10 =	vmov v11;
	v11 =	vmov v16;
	s24 =	smov.u32 s22;
	s22 =	smov.u32 s23;
	s23 =	smov.u32 s25  }
0x162: {  	s25 =	smov.u32 s26;
	s26 =	smov.u32 s28;
	v13 =	vld [tilespmem:s31+$0x0];
	v16 =	vperm.xlane v21, v3;
	v21 =	vperm.xlane v21, v5;
	[tilespmem:s28+$0x4000] =	vst v23;
	v23 =	vpop (erf);
	v8 =	vadd.f32 v17, v8;
	s28 =	smov.u32 s29  }
0x163: {  	s29 =	smov.u32 s31;
	(erf) = vrcp.f32 v20;
	v17 =	vadd.f32 v22, v24;
	v20 =	vmul.f32 v23, v10  }
0x164: {  	v22 =	vsub.f32 v12, v16;
	v23 =	vsub.f32 v21, v16;
	vm0 =	veq.f32 v12, v21  }
0x165: {  	vm1 =	veq.f32 v12, v16;
	v21 =	vadd.f32 v11, v19;
	v26 =	vperm.xlane v17, v6  }
.Ltmp2:
0x166: {  	v19 =	vmul.f32 $1.442695020e+00, v22;
	v22 =	vmul.f32 $1.442695020e+00, v23;
	v23 =	vsel vm1, $0x3F800000, v3;
	(xrf1) =	vsort.dscd.msk.f32 $0xffff, v7, v20;
	v7 =	vmovc v18;
	(pc) =	sbr.rel @p0 .LBB2_6-.Ltmp2, $4  }
0x167: {  	v27 =	vsel vm0, $0x3F800000, v3;
	v24 =	vperm.xlane v21, v2;
	(xrf1) =	vsort.dscd.msk.f32 $0xffff, v13, v0;
	v20 =	vpop (erf);
	v17 =	vadd.f32 v17, v26  }
0x168: {  	v15 =	vadd.f32 v23, v15;
	(erf) = vpow2.f32 v22;
	v20 =	vadd.f32 $1.000000000e+00, v20;
	v16 =	vpop (erf)  }
0x169: {  	v22 =	vadd.f32 v21, v24;
	(erf) = vpow2.f32 v19;
	v19 =	vperm.xlane v16, v1;
	v21 =	vpop (erf)  }
0x16a: {  	v15 =	vadd.f32 v27, v15;
	(erf) = vrcp.f32 v17;
	v17 =	vmul.f32 v21, v25;
	_, v18, _ =	vpop (xrf1)  }
0x16b: {  	_ =	sdelay $0x2  }
0x16c: {  	v21, v25, _ =	vpop (xrf1)  }
0x16d: {  	v23 =	vperm.xlane v22, v4;
	v24 =	vperm.xlane v21, v3;
	_ =	sdelay $0x1  }
0x16e: {  	v21 =	vperm.xlane v21, v5;
	v22 =	vadd.f32 v22, v23;
	v23 =	vsub.f32 v14, v24  }
0x16f: {  	v26 =	vpop (erf)  }
0x170: {  	v27 =	vsub.f32 v21, v24;
	v28 =	vpop (erf)  }
0x171: {  	(erf) = vrcp.f32 v20;
	v29 =	vperm.xlane v22, v6;
	_, v30, _ =	vpop (xrf1)  }
0x172: {  	v31 =	vadd.f32 v16, v19;
	v32 =	vmul.f32 $1.442695020e+00, v23;
	v27 =	vmul.f32 $1.442695020e+00, v27;
	v23, v33, _ =	vpop (xrf1)  }
0x173: {  	v19 =	vpop (erf);
	v20 =	vperm.xlane v23, v3;
	v23 =	vperm.xlane v23, v5  }
0x174: {  	v34 =	vperm.xlane v31, v2;
	v35 =	vperm.xlane v19, v1  }
0x175: {  	v22 =	vadd.f32 v22, v29;
	(erf) = vpow2.f32 v27;
	v50 =	vsub.f32 v23, v20  }
0x176: {  	v28 =	vadd.f32 $1.000000000e+00, v28;
	(erf) = vpow2.f32 v32;
	v51 =	vadd.f32 v19, v35  }
0x177: {  	v52 =	vadd.f32 v31, v34;
	(erf) = vrcp.f32 v22;
	v22 =	vmul.f32 $1.442695020e+00, v50  }
0x178: {  	(erf) = vrcp.f32 v28;
	v53 =	vperm.xlane v51, v2  }
0x179: {  	(erf) = vpow2.f32 v22;
	v22 =	vperm.xlane v52, v4  }
0x17a: {  	v54 =	vsub.f32 v13, v20  }
0x17b: {  	v28 =	vadd.f32 v51, v53;
	v22 =	vadd.f32 v52, v22  }
0x17c: {  	v56 =	vmul.f32 $1.442695020e+00, v54  }
0x17d: {  	v55 =	vpop (erf);
	v57 =	vperm.xlane v28, v4;
	v59 =	vperm.xlane v22, v6  }
0x17e: {  	v58 =	vpop (erf)  }
0x17f: {  	v60 =	vpop (erf);
	(erf) = vpow2.f32 v56;
	v61 =	vadd.f32 v28, v57;
	v22 =	vadd.f32 v22, v59  }
0x180: {  	v62 =	vpop (erf)  }
0x181: {  	v63 =	vpop (erf);
	v41 =	vperm.xlane v61, v6  }
0x182: {  	v35 =	vadd.f32 $1.000000000e+00, v60;
	v36 =	vpop (erf)  }
0x183: {  	v27 =	vadd.f32 v61, v41;
	(erf) = vrcp.f32 v22;
	v22 =	vpop (erf)  }
0x184: {  	(erf) = vrcp.f32 v35;
	v22 =	vadd.f32 $1.000000000e+00, v22  }
0x185: {  	(erf) = vrcp.f32 v27  }
0x186: {  	(erf) = vrcp.f32 v22;
	_ =	sdelay $0x1  }
0x187: {  	v42 =	vperm.xlane v62, v1;
	v22 =	vpop (erf)  }
0x188: {  	v43 =	vperm.xlane v22, v1  }
0x189: {  	v27 =	vadd.f32 v62, v42  }
0x18a: {  	v34 =	vadd.f32 v22, v43  }
0x18b: {  	v26 =	vmul.f32 v26, v11;
	v44 =	vperm.xlane v27, v2;
	v37 =	vpop (erf)  }
0x18c: {  	v32 =	vmul.f32 v58, v16;
	v38 =	vpop (erf);
	v39 =	vperm.xlane v34, v2  }
0x18d: {  	(xrf1) =	vsort.dscd.msk.f32 $0xffff, v7, v26;
	v7 =	vmul.f32 v36, v19;
	v45 =	vadd.f32 v27, v44;
	v46 =	vpop (erf)  }
0x18e: {  	(xrf1) =	vsort.dscd.msk.f32 $0xffff, v9, v32;
	v9 =	vmul.f32 v38, v62;
	v47 =	vadd.f32 v34, v39;
	v48 =	vpop (erf)  }
0x18f: {  	(xrf1) =	vsort.dscd.msk.f32 $0xffff, v12, v7;
	v7 =	vperm.xlane v45, v4;
	v12 =	vmul.f32 v48, v22  }
0x190: {  	(xrf1) =	vsort.dscd.msk.f32 $0xffff, v14, v9;
	v9 =	vperm.xlane v47, v4  }
0x191: {  	v7 =	vadd.f32 v45, v7;
	(xrf1) =	vsort.dscd.msk.f32 $0xffff, v13, v12  }
0x192: {  	v9 =	vadd.f32 v47, v9  }
0x193: {  	v12 =	vperm.xlane v7, v6  }
0x194: {  	v49 =	vperm.xlane v9, v6  }
0x195: {  	v7 =	vadd.f32 v7, v12  }
0x196: {  	v9 =	vadd.f32 v9, v49  }
0x197: {  	(erf) = vrcp.f32 v7  }
0x198: {  	[tilespmem:s24+$0x8000] =	vst v18;
	(erf) = vrcp.f32 v9  }
0x199: {  	[tilespmem:s28+$0x4000] =	vst v25  }
0x19a: {  	[tilespmem:s22+$0x8000] =	vst v30  }
0x19b: {  	[tilespmem:s29+$0x4000] =	vst v33;
	_, v7, _ =	vpop (xrf1)  }
0x19c: {  	[tilespmem:s23+$0x8000] =	vst v7;
	_, v7, _ =	vpop (xrf1)  }
0x19d: {  	[tilespmem:s25+$0x8000] =	vst v7;
	_, v7, _ =	vpop (xrf1)  }
0x19e: {  	[tilespmem:s26+$0x8000] =	vst v7;
	_, v7, _ =	vpop (xrf1)  }
0x19f: {  	[tilespmem:s28+$0x8000] =	vst v7;
	_, v7, _ =	vpop (xrf1)  }
0x1a0: {  	s31 =	simm.s32 $0x0;
	v9 =	vpop (erf);
	[tilespmem:s29+$0x8000] =	vst v7  }
0x1a1: {  	v12 =	vpop (erf);
	[hbm4b:s10+s31] =	stream.linear.scatter [tilespmem:s18], [sflag:$0x1], $0x4000, $0x38;
	[tilespmem:$0xC080] =	vst v63  }
0x1a2: {  	_ =	swait.ge [sflag:s17], $0x4000  }
0x1a3: {  	[sflag:s17] =	ssyncset.done $0x0  }
0x1a4: {  	[sflag:s17] =	ssyncadd.s32 $0xFFFFC000  }
0x1a5: {  	[hbm4b:s11+s31] =	stream.linear.scatter [tilespmem:s19], [sflag:$0x1], $0x4000, $0x38;
	[tilespmem:$0xC080] =	vst v63  }
0x1a6: {  	_ =	swait.ge [sflag:s17], $0x4000  }
0x1a7: {  	[sflag:s17] =	ssyncset.done $0x0  }
0x1a8: {  	[sflag:s17] =	ssyncadd.s32 $0xFFFFC000  }
0x1a9: {  	[tilespmem:s31], [sflag:$0x1] =	stream.linear.gather [hbm4b:s12+s31], $0x4000, $0x38;
	[tilespmem:$0xC080] =	vst v63  }
0x1aa: {  	_ =	swait.ge [sflag:s17], $0x4000  }
0x1ab: {  	[sflag:s17] =	ssyncset.done $0x0  }
0x1ac: {  	s24 =	simm.s32 $0x0;
	[sflag:s17] =	ssyncadd.s32 $0xFFFFC000  }
0x1ad: {  	v50 =	vld [tilespmem:s24+$0x0];
	_ =	sdelay $0x4  }
0x1ae: {  	s23 =	simm.s32 $0x80;
	(xrf1) =	vsort.dscd.msk.f32 $0xffff, v50, v0  }
0x1af: {  	v18 =	vld [tilespmem:s23+$0x0];
	_ =	sdelay $0x4  }
0x1b0: {  	(xrf1) =	vsort.dscd.msk.f32 $0xffff, v18, v0;
	_ =	sdelay $0x2  }
0x1b1: {  	s22 =	simm.s32 $0x100  }
0x1b2: {  	v7 =	vld [tilespmem:s22+$0x0];
	_ =	sdelay $0x1  }
0x1b3: {  	v8 =	vadd.f32 v17, v8;
	v10 =	vmul.f32 v55, v10  }
0x1b4: {  	vm0 =	veq.f32 v14, v24  }
0x1b5: {  	vm1 =	veq.f32 v14, v21;
	v10 =	vadd.f32 v10, v8;
	v11 =	vmul.f32 v63, v11;
	v51, v52, _ =	vpop (xrf1)  }
0x1b6: {  	(xrf1) =	vsort.dscd.msk.f32 $0xffff, v7, v0;
	v53 =	vperm.xlane v51, v3;
	v26 =	vperm.xlane v51, v5  }
0x1b7: {  	v10 =	vadd.f32 v11, v10;
	v11 =	vmul.f32 v37, v16;
	v14 =	vsel vm0, $0x3F800000, v3  }
0x1b8: {  	v14 =	vadd.f32 v14, v15;
	v15 =	vsel vm1, $0x3F800000, v3;
	v54 =	vsub.f32 v26, v53  }
0x1b9: {  	v17 =	vsub.f32 v50, v53  }
0x1ba: {  	vm4 =	veq.f32 v13, v23;
	v10 =	vadd.f32 v11, v10;
	v55 =	vmul.f32 $1.442695020e+00, v54  }
0x1bb: {  	v11 =	vmul.f32 v46, v19;
	v14 =	vadd.f32 v15, v14;
	s25 =	simm.s32 $0x180;
	[tilespmem:s24+$0x4000] =	vst v52;
	v15, v16, _ =	vpop (xrf1);
	v17 =	vmul.f32 $1.442695020e+00, v17  }
0x1bc: {  	vm5 =	veq.f32 v13, v20;
	v8 =	vld [tilespmem:s25+$0x0];
	v13 =	vperm.xlane v15, v3;
	(erf) = vpow2.f32 v55  }
0x1bd: {  	v15 =	vperm.xlane v15, v5;
	(erf) = vpow2.f32 v17  }
0x1be: {  	v10 =	vadd.f32 v11, v10;
	v11 =	vsub.f32 v18, v13;
	v17 =	vsel vm5, $0x3F800000, v3  }
0x1bf: {  	v14 =	vadd.f32 v17, v14;
	v17 =	vsub.f32 v15, v13  }
0x1c0: {  	v9 =	vmul.f32 v9, v62;
	v11 =	vmul.f32 $1.442695020e+00, v11  }
0x1c1: {  	v19 =	vsel vm4, $0x3F800000, v3;
	(xrf1) =	vsort.dscd.msk.f32 $0xffff, v8, v0;
	v17 =	vmul.f32 $1.442695020e+00, v17  }
0x1c2: {  	v9 =	vadd.f32 v9, v10;
	vm6 =	veq.f32 v50, v53;
	v14 =	vadd.f32 v19, v14  }
0x1c3: {  	v12 =	vmul.f32 v12, v22;
	v10 =	vsel vm6, $0x3F800000, v3;
	(erf) = vpow2.f32 v17  }
0x1c4: {  	vm7 =	veq.f32 v50, v26;
	v14 =	vadd.f32 v10, v14;
	(erf) = vpow2.f32 v11;
	v11, v20, _ =	vpop (xrf1)  }
0x1c5: {  	[tilespmem:s23+$0x4000] =	vst v16;
	v16 =	vsel vm7, $0x3F800000, v3;
	v19 =	vpop (erf)  }
0x1c6: {  	v9 =	vadd.f32 v12, v9;
	vm8 =	veq.f32 v18, v13;
	v14 =	vadd.f32 v16, v14;
	v17 =	vpop (erf)  }
0x1c7: {  	v13 =	vsel vm8, $0x3F800000, v3;
	v21 =	vperm.xlane v11, v3;
	v16 =	vperm.xlane v17, v1  }
0x1c8: {  	v11 =	vperm.xlane v11, v5;
	v19 =	vadd.f32 $1.000000000e+00, v19;
	v13 =	vadd.f32 v13, v14  }
0x1c9: {  	vm9 =	veq.f32 v18, v15;
	v15 =	vsub.f32 v7, v21;
	v16 =	vadd.f32 v17, v16  }
0x1ca: {  	v12 =	vsel vm9, $0x3F800000, v3;
	v14 =	vsub.f32 v11, v21;
	(erf) = vrcp.f32 v19  }
0x1cb: {  	s26 =	simm.s32 $0x200;
	v12 =	vadd.f32 v12, v13;
	v13 =	vmul.f32 $1.442695020e+00, v15;
	v19 =	vperm.xlane v16, v2  }
0x1cc: {  	v10 =	vld [tilespmem:s26+$0x0];
	v14 =	vmul.f32 $1.442695020e+00, v14  }
0x1cd: {  	v15 =	vadd.f32 v16, v19  }
0x1ce: {  	vm10 =	veq.f32 v7, v11;
	(erf) = vpow2.f32 v14;
	v11 =	vpop (erf)  }
0x1cf: {  	vm11 =	veq.f32 v7, v21;
	(erf) = vpow2.f32 v13;
	v13, v16, _ =	vpop (xrf1);
	v19 =	vperm.xlane v15, v4  }
0x1d0: {  	v14 =	vadd.f32 $1.000000000e+00, v11;
	v22 =	vperm.xlane v13, v3;
	v13 =	vperm.xlane v13, v5  }
0x1d1: {  	(xrf1) =	vsort.dscd.msk.f32 $0xffff, v10, v0;
	v21 =	vsel vm11, $0x3F800000, v3  }
0x1d2: {  	v11 =	vpop (erf);
	(erf) = vrcp.f32 v14;
	v14 =	vadd.f32 v15, v19;
	v19 =	vsub.f32 v13, v22  }
0x1d3: {  	v12 =	vadd.f32 v21, v12;
	v23 =	vpop (erf);
	v56 =	vsub.f32 v8, v22  }
0x1d4: {  	v15 =	vmul.f32 v23, v17;
	v23 =	vsel vm10, $0x3F800000, v3;
	v19 =	vmul.f32 $1.442695020e+00, v19  }
0x1d5: {  	vm12 =	veq.f32 v8, v13;
	vm13 =	veq.f32 v8, v22;
	v12 =	vadd.f32 v23, v12  }
0x1d6: {  	v13 =	vmul.f32 $1.442695020e+00, v56;
	(erf) = vpow2.f32 v19;
	v19 =	vsel vm13, $0x3F800000, v3  }
0x1d7: {  	v19 =	vadd.f32 v19, v12  }
0x1d8: {  	s28 =	simm.s32 $0x280;
	[tilespmem:s22+$0x4000] =	vst v20;
	(erf) = vpow2.f32 v13;
	v13 =	vsel vm12, $0x3F800000, v3  }
0x1d9: {  	v21 =	vperm.xlane v11, v1;
	v19 =	vadd.f32 v13, v19;
	v13 =	vld [tilespmem:s28+$0x0]  }
0x1da: {  	v23 =	vperm.xlane v14, v6  }
0x1db: {  	v21 =	vadd.f32 v11, v21;
	_ =	sdelay $0x1  }
0x1dc: {  	v22 =	vpop (erf);
	(xrf1) =	vsort.dscd.msk.f32 $0xffff, v50, v15;
	v15 =	vperm.xlane v21, v2;
	v14 =	vadd.f32 v14, v23  }
0x1dd: {  	v12 =	vpop (erf);
	(xrf1) =	vsort.dscd.msk.f32 $0xffff, v13, v0  }
0x1de: {  	v15 =	vadd.f32 v21, v15;
	(erf) = vrcp.f32 v14;
	v14 =	vadd.f32 $1.000000000e+00, v22;
	v22, v23, _ =	vpop (xrf1)  }
0x1df: {  	v20 =	vperm.xlane v22, v3;
	v22 =	vperm.xlane v22, v5  }
0x1e0: {  	v57 =	vperm.xlane v15, v4  }
0x1e1: {  	s29 =	simm.s32 $0x300;
	[tilespmem:s25+$0x4000] =	vst v16;
	v16 =	vsub.f32 v10, v20;
	v60 =	vsub.f32 v22, v20  }
0x1e2: {  	v21 =	vperm.xlane v12, v1;
	v58 =	vpop (erf);
	(erf) = vrcp.f32 v14;
	v14 =	vld [tilespmem:s29+$0x0];
	v15 =	vadd.f32 v15, v57  }
0x1e3: {  	vm14 =	veq.f32 v10, v22;
	v22 =	vmul.f32 $1.442695020e+00, v16;
	v16 =	vmul.f32 $1.442695020e+00, v60  }
0x1e4: {  	v59 =	vmul.f32 v58, v11;
	vm15 =	veq.f32 v10, v20;
	v20 =	vperm.xlane v15, v6  }
0x1e5: {  	v21 =	vadd.f32 v12, v21  }
0x1e6: {  	[tilespmem:s26+$0x4000] =	vst v23;
	v23 =	vadd.f32 v15, v20;
	v15 =	vpop (erf);
	(xrf1) =	vsort.dscd.msk.f32 $0xffff, v18, v59  }
0x1e7: {  	v61 =	vsel vm15, $0x3F800000, v3;
	v62 =	vperm.xlane v21, v2;
	(erf) = vpow2.f32 v16;
	(xrf1) =	vsort.dscd.msk.f32 $0xffff, v14, v0;
	v16 =	vpop (erf)  }
0x1e8: {  	v63 =	vsel vm14, $0x3F800000, v3;
	v25 =	vadd.f32 v61, v19;
	(erf) = vpow2.f32 v22;
	v18 =	vpop (erf)  }
0x1e9: {  	v21 =	vadd.f32 v21, v62;
	v20 =	vadd.f32 $1.000000000e+00, v15;
	(erf) = vrcp.f32 v23  }
0x1ea: {  	s30 =	simm.s32 $0xE00;
	v15 =	vadd.f32 v63, v25;
	v19 =	vperm.xlane v16, v1;
	v17 =	vmul.f32 v18, v17;
	_, v18, _ =	vpop (xrf1)  }
.LBB2_8:
0x1eb: {  	s31 =	sshra.s32 s30, $0x2;
	p0 =	sne.s32 s30, $0xFE00;
	s30 =	sadd.s32 $0x200, s30;
	v22, v23, _ =	vpop (xrf1);
	v24 =	vperm.xlane v21, v4;
	[tilespmem:s24+$0x8000] =	vst v18;
	v18 =	vmov v8;
	v8 =	vmov v10  }
0x1ec: {  	v10 =	vmovc v13;
	v13 =	vmovc v14;
	v25 =	vmov v11;
	v11 =	vmov v12;
	v12 =	vmov v16;
	s24 =	smov.u32 s23;
	s23 =	smov.u32 s22;
	s22 =	smov.u32 s25  }
0x1ed: {  	s25 =	smov.u32 s26;
	s26 =	smov.u32 s28;
	v14 =	vld [tilespmem:s31+$0x0];
	v16 =	vperm.xlane v22, v3;
	v22 =	vperm.xlane v22, v5;
	[tilespmem:s28+$0x4000] =	vst v23;
	v23 =	vpop (erf);
	v9 =	vadd.f32 v17, v9;
	s28 =	smov.u32 s29  }
0x1ee: {  	s29 =	smov.u32 s31;
	(erf) = vrcp.f32 v20;
	v17 =	vadd.f32 v21, v24;
	v20 =	vmul.f32 v23, v11  }
0x1ef: {  	v21 =	vsub.f32 v10, v16;
	v23 =	vsub.f32 v22, v16;
	vm0 =	veq.f32 v10, v22  }
0x1f0: {  	vm1 =	veq.f32 v10, v16;
	v22 =	vadd.f32 v12, v19;
	v26 =	vperm.xlane v17, v6  }
.Ltmp3:
0x1f1: {  	v19 =	vmul.f32 $1.442695020e+00, v21;
	v21 =	vmul.f32 $1.442695020e+00, v23;
	v23 =	vsel vm1, $0x3F800000, v3;
	(xrf1) =	vsort.dscd.msk.f32 $0xffff, v7, v20;
	v7 =	vmovc v18;
	(pc) =	sbr.rel @p0 .LBB2_8-.Ltmp3, $4  }
0x1f2: {  	v27 =	vsel vm0, $0x3F800000, v3;
	v24 =	vperm.xlane v22, v2;
	(xrf1) =	vsort.dscd.msk.f32 $0xffff, v14, v0;
	v20 =	vpop (erf);
	v17 =	vadd.f32 v17, v26  }
0x1f3: {  	v15 =	vadd.f32 v23, v15;
	(erf) = vpow2.f32 v21;
	v20 =	vadd.f32 $1.000000000e+00, v20;
	v16 =	vpop (erf)  }
0x1f4: {  	v21 =	vadd.f32 v22, v24;
	(erf) = vpow2.f32 v19;
	v19 =	vperm.xlane v16, v1;
	v22 =	vpop (erf)  }
0x1f5: {  	v15 =	vadd.f32 v27, v15;
	(erf) = vrcp.f32 v17;
	v17 =	vmul.f32 v22, v25;
	_, v18, _ =	vpop (xrf1)  }
0x1f6: {  	_ =	sdelay $0x4  }
0x1f7: {  	v22, v23, _ =	vpop (xrf1);
	v24 =	vperm.xlane v21, v4  }
0x1f8: {  	v25 =	vperm.xlane v22, v3;
	v22 =	vperm.xlane v22, v5  }
0x1f9: {  	v19 =	vadd.f32 v16, v19;
	v26 =	vpop (erf)  }
0x1fa: {  	v21 =	vadd.f32 v21, v24;
	v27 =	vsub.f32 v22, v25;
	v28 =	vpop (erf)  }
0x1fb: {  	(erf) = vrcp.f32 v20;
	v34 =	vperm.xlane v19, v2;
	_, v29, _ =	vpop (xrf1)  }
0x1fc: {  	v46 =	vsub.f32 v13, v25;
	v47 =	vperm.xlane v21, v6;
	v27 =	vmul.f32 $1.442695020e+00, v27;
	v30, v31, _ =	vpop (xrf1)  }
0x1fd: {  	v32 =	vpop (erf);
	v33 =	vperm.xlane v30, v3;
	v30 =	vperm.xlane v30, v5  }
0x1fe: {  	v24 =	vmul.f32 $1.442695020e+00, v46;
	v35 =	vperm.xlane v32, v1  }
0x1ff: {  	v20 =	vadd.f32 v21, v47;
	(erf) = vpow2.f32 v27;
	v48 =	vsub.f32 v30, v33  }
0x200: {  	v49 =	vadd.f32 $1.000000000e+00, v28;
	(erf) = vpow2.f32 v24;
	v50 =	vadd.f32 v32, v35  }
0x201: {  	(erf) = vrcp.f32 v20;
	v51 =	vmul.f32 $1.442695020e+00, v48  }
0x202: {  	v19 =	vadd.f32 v19, v34;
	(erf) = vrcp.f32 v49;
	v52 =	vperm.xlane v50, v2  }
0x203: {  	(erf) = vpow2.f32 v51  }
0x204: {  	v53 =	vperm.xlane v19, v4;
	v54 =	vsub.f32 v14, v33;
	v21 =	vadd.f32 v50, v52;
	_ =	sdelay $0x1  }
0x205: {  	v55 =	vpop (erf);
	v19 =	vadd.f32 v19, v53;
	v56 =	vmul.f32 $1.442695020e+00, v54;
	v57 =	vperm.xlane v21, v4  }
0x206: {  	v58 =	vpop (erf)  }
0x207: {  	v59 =	vperm.xlane v19, v6;
	v60 =	vpop (erf);
	(erf) = vpow2.f32 v56;
	v61 =	vadd.f32 v21, v57  }
0x208: {  	v62 =	vpop (erf)  }
0x209: {  	v19 =	vadd.f32 v19, v59;
	v63 =	vpop (erf);
	v40 =	vperm.xlane v61, v6  }
0x20a: {  	v35 =	vadd.f32 $1.000000000e+00, v60;
	v36 =	vpop (erf)  }
0x20b: {  	(erf) = vrcp.f32 v19;
	v20 =	vadd.f32 v61, v40;
	v41 =	vpop (erf)  }
0x20c: {  	(erf) = vrcp.f32 v35;
	v19 =	vadd.f32 $1.000000000e+00, v41  }
0x20d: {  	(erf) = vrcp.f32 v20  }
0x20e: {  	(erf) = vrcp.f32 v19;
	_ =	sdelay $0x1  }
0x20f: {  	v43 =	vperm.xlane v62, v1;
	v42 =	vpop (erf)  }
0x210: {  	v44 =	vperm.xlane v42, v1  }
0x211: {  	v20 =	vadd.f32 v62, v43  }
0x212: {  	v34 =	vadd.f32 v42, v44  }
0x213: {  	v26 =	vmul.f32 v26, v12;
	v45 =	vperm.xlane v20, v2;
	v37 =	vpop (erf)  }
0x214: {  	v28 =	vmul.f32 v58, v16;
	v38 =	vpop (erf);
	v39 =	vperm.xlane v34, v2  }
0x215: {  	(xrf1) =	vsort.dscd.msk.f32 $0xffff, v7, v26;
	v7 =	vmul.f32 v36, v32;
	v20 =	vadd.f32 v20, v45;
	v46 =	vpop (erf)  }
0x216: {  	(xrf1) =	vsort.dscd.msk.f32 $0xffff, v8, v28;
	v8 =	vmul.f32 v38, v62;
	v47 =	vadd.f32 v34, v39;
	v48 =	vpop (erf)  }
0x217: {  	(xrf1) =	vsort.dscd.msk.f32 $0xffff, v10, v7;
	v7 =	vperm.xlane v20, v4;
	v49 =	vmul.f32 v48, v42  }
0x218: {  	(xrf1) =	vsort.dscd.msk.f32 $0xffff, v13, v8;
	v8 =	vperm.xlane v47, v4  }
0x219: {  	v7 =	vadd.f32 v20, v7;
	(xrf1) =	vsort.dscd.msk.f32 $0xffff, v14, v49  }
0x21a: {  	v8 =	vadd.f32 v47, v8  }
0x21b: {  	v50 =	vperm.xlane v7, v6  }
0x21c: {  	v51 =	vperm.xlane v8, v6  }
0x21d: {  	v7 =	vadd.f32 v7, v50  }
0x21e: {  	v8 =	vadd.f32 v8, v51  }
0x21f: {  	(erf) = vrcp.f32 v7  }
0x220: {  	[tilespmem:s24+$0x8000] =	vst v18;
	(erf) = vrcp.f32 v8  }
0x221: {  	[tilespmem:s28+$0x4000] =	vst v23  }
0x222: {  	[tilespmem:s23+$0x8000] =	vst v29  }
0x223: {  	[tilespmem:s29+$0x4000] =	vst v31;
	_, v7, _ =	vpop (xrf1)  }
0x224: {  	v9 =	vadd.f32 v17, v9;
	v52 =	vmul.f32 v55, v11;
	[tilespmem:s22+$0x8000] =	vst v7;
	_, v8, _ =	vpop (xrf1)  }
0x225: {  	[tilespmem:s25+$0x8000] =	vst v8;
	_, v7, _ =	vpop (xrf1)  }
0x226: {  	v53 =	vmul.f32 v63, v12;
	v8 =	vadd.f32 v52, v9;
	[tilespmem:s26+$0x8000] =	vst v7;
	_, v7, _ =	vpop (xrf1)  }
0x227: {  	vm0 =	veq.f32 v13, v25;
	[tilespmem:s28+$0x8000] =	vst v7;
	_, v7, _ =	vpop (xrf1)  }
0x228: {  	v54 =	vsel vm0, $0x3F800000, v3;
	v55 =	vmul.f32 v37, v16;
	v56 =	vpop (erf);
	v8 =	vadd.f32 v53, v8;
	[tilespmem:s29+$0x8000] =	vst v7  }
0x229: {  	vm13 =	veq.f32 v13, v22;
	v57 =	vpop (erf);
	v7 =	vadd.f32 v54, v15;
	[hbm4b:s13+s1] =	stream.linear.scatter [tilespmem:s18], [sflag:$0x1], $0x4000, $0x38;
	[tilespmem:$0xC080] =	vst v63  }
0x22a: {  	v58 =	vsel vm13, $0x3F800000, v3;
	v59 =	vmul.f32 v46, v32;
	v8 =	vadd.f32 v55, v8;
	_ =	swait.ge [sflag:s17], $0x4000  }
0x22b: {  	vm14 =	veq.f32 v14, v33;
	v7 =	vadd.f32 v58, v7;
	[sflag:s17] =	ssyncset.done $0x0  }
0x22c: {  	v60 =	vsel vm14, $0x3F800000, v3;
	v61 =	vmul.f32 v56, v62;
	v8 =	vadd.f32 v59, v8;
	[sflag:s17] =	ssyncadd.s32 $0xFFFFC000  }
0x22d: {  	vm15 =	veq.f32 v14, v30;
	v7 =	vadd.f32 v60, v7;
	[hbm4b:s14+s1] =	stream.linear.scatter [tilespmem:s19], [sflag:$0x1], $0x4000, $0x38;
	[tilespmem:$0xC080] =	vst v63  }
0x22e: {  	v62 =	vsel vm15, $0x3F800000, v3;
	v63 =	vmul.f32 v57, v42;
	v8 =	vadd.f32 v61, v8;
	_ =	swait.ge [sflag:s17], $0x4000  }
0x22f: {  	v7 =	vadd.f32 v62, v7;
	[sflag:s17] =	ssyncset.done $0x0  }
0x230: {  	s21 =	sadd.s32 $0x1, s21;
	v8 =	vadd.f32 v63, v8;
	[sflag:s17] =	ssyncadd.s32 $0xFFFFC000  }
0x231: {  	p0 =	sne.s32 s21, s16;
	[tilespmem:$0xC000] =	vst v7  }
.Ltmp4:
0x232: {  	[tilespmem:$0xC010] =	vst v8;
	(pc) =	sbr.rel @p0 .LBB2_1-.Ltmp4, $4  }
0x233: {  	[hbm4b:s15+s1] =	stream.linear.scatter [tilespmem:s20], [sflag:$0x1], $0x80, $0x38;
	[tilespmem:$0xC080] =	vst v63  }
0x234: {  	_ =	swait.ge [sflag:s17], $0x80  }
0x235: {  	[sflag:s17] =	ssyncset.done $0x0  }
0x236: {  	[sflag:s17] =	ssyncadd.s32 $0xFFFFFF80  }
0x237: {  	_ =	sfence.sel $0x180000  }
0x238: {  	[bflag:$0x0] =	sbarrier.arrive $0xFFFF  }
0x239: {  	p0 =	sne.s32 s2, $0x0;
	_ =	strace $0x90000047  }
0x23a: {  	s0 =	sadd.s32 @!p0 $0x100000, s0;
	[bflag:$0x2] =	sbarrier.arrive $0xFFFF  }
0x23b: {  	[sflag:s0] =	ssyncadd.tile.s32 @!p0 $0x1;
	_ =	shalt  }
.Lfunc_end2:
_tile_overlayer_lowered:
.L_overlay_start_2:
0x23c: {  	(tag) =	ssettag $0x2  }
0x23d: {  	s0 =	rddreg [dreg:$0x0];
	s2 =	stileid.u32  }
0x23e: {  	s1 =	rddreg [dreg:$0x1];
	p0 =	sne.s32 s2, $0x0  }
0x23f: {  	s3 =	rddreg [dreg:$0x2];
	[bflag:$0x3] =	sbarrier.arrive $0xFFFF;
	s2 =	simm.s32 @!p0 $0x1C01  }
0x240: {  	[timem:s3], [sflag:s2] =	dma.local @!p0 [hbm:s0], s1  }
0x241: {  	s0 =	simm.s32 @!p0 $0x1  }
0x242: {  	_ =	swait.ge @!p0 [sflag:s0], s1  }
0x243: {  	s1 =	ssub.s32 @!p0 $0x0, s1;
	[sflag:s0] =	ssyncset.done @!p0 $0x0  }
0x244: {  	[sflag:s0] =	ssyncadd.s32 @!p0 s1  }
0x245: {  	[bflag:$0x3] =	sbarrier.arrive $0xFFFF  }
0x246: {  	_ =	shalt  }

</sc_bundles>
